<compile_context>
chip_gen: v7x
topology: tpu7x:2x2x1
jax: 0.10.2.dev20260603
libtpu: 0.0.44.dev20260713+nightly
codegen_flags: <defaults>
</compile_context>

<pallas_src>
import functools

import jax
import jax.numpy as jnp
from jax import lax
from jax.experimental import pallas as pl
from jax.experimental.pallas import tpu as pltpu
from jax.experimental.pallas import tpu_sc as plsc

Z = 256
N = 100000
P = 8
C = 4
S = 50
K = 256
BLK = 4096
G = 25
NPAD = G * BLK
NEG = -1.0e30


def _att_loss_body(x_ref, zp_ref, w_ref, b_ref, att_ref, loss_ref):
    i = pl.program_id(0)
    xb = x_ref[0]
    zp = zp_ref[...]
    zp_mean = jnp.mean(zp, axis=1)
    ps_norm = jnp.sqrt(jnp.sum(zp_mean * zp_mean, axis=1, keepdims=True))
    ps = zp_mean / jnp.maximum(ps_norm, 1e-12)

    xn = jnp.sqrt(jnp.sum(xb * xb, axis=1, keepdims=True))
    zn = xb / jnp.maximum(xn, 1e-12)

    att = lax.dot_general(zn, ps, (((1,), (1,)), ((), ())),
                          preferred_element_type=jnp.float32)
    row = i * BLK + lax.broadcasted_iota(jnp.int32, (BLK, 1), 0)
    att = jnp.where(row < N, att, NEG)
    att_ref[...] = att

    @pl.when(i == 0)
    def _():
        logits = lax.dot_general(zp_mean, w_ref[...], (((1,), (0,)), ((), ())),
                                 preferred_element_type=jnp.float32)
        logits = logits + b_ref[...]
        haz = jax.nn.sigmoid(logits)
        q = 1.0 - haz
        s0 = q[:, 0:1]
        s1 = s0 * q[:, 1:2]
        s2 = s1 * q[:, 2:3]
        s3 = s2 * q[:, 3:4]
        ones = jnp.ones((P, 1), jnp.float32)
        s_pad = jnp.concatenate([ones, s0, s1, s2, s3], axis=1)
        r = lax.broadcasted_iota(jnp.int32, (P, 1), 0)
        y = r % C
        col5 = lax.broadcasted_iota(jnp.int32, (P, C + 1), 1)
        col4 = lax.broadcasted_iota(jnp.int32, (P, C), 1)
        eps = 1e-7
        s_prev = jnp.maximum(
            jnp.sum(jnp.where(col5 == y, s_pad, 0.0), axis=1, keepdims=True), eps)
        s_this = jnp.maximum(
            jnp.sum(jnp.where(col5 == y + 1, s_pad, 0.0), axis=1, keepdims=True), eps)
        h_this = jnp.maximum(
            jnp.sum(jnp.where(col4 == y, haz, 0.0), axis=1, keepdims=True), eps)
        cflag = jnp.where(r >= C, 1.0, 0.0)
        unc = -(1.0 - cflag) * (jnp.log(s_prev) + jnp.log(h_this))
        cen = -cflag * jnp.log(s_this)
        loss = jnp.sum(0.5 * (cen + unc) + 0.5 * unc, axis=0, keepdims=True)
        loss_ref[...] = loss


def _att_loss_call(x, z_proxy, W, b2):
    return pl.pallas_call(
        _att_loss_body,
        grid=(G,),
        in_specs=[
            pl.BlockSpec((1, BLK, Z), lambda i: (0, i, 0)),
            pl.BlockSpec((P, S, Z), lambda i: (0, 0, 0)),
            pl.BlockSpec((Z, C), lambda i: (0, 0)),
            pl.BlockSpec((1, C), lambda i: (0, 0)),
        ],
        out_specs=[
            pl.BlockSpec((BLK, P), lambda i: (i, 0)),
            pl.BlockSpec((1, 1), lambda i: (0, 0)),
        ],
        out_shape=[
            jax.ShapeDtypeStruct((NPAD, P), jnp.float32),
            jax.ShapeDtypeStruct((1, 1), jnp.float32),
        ],
    )(x, z_proxy, W, b2)


NR = (NPAD * P) // 1024


def _topk_body(att_ref, idx_ref, pos_ref, att_s):
    att = att_ref[...]
    att_s[...] = att
    m0 = jnp.max(att, axis=1).reshape(1, NR)

    cols_iota = lax.broadcasted_iota(jnp.int32, (1, NR), 1)
    lane_iota = lax.broadcasted_iota(jnp.int32, (1, 1024), 1)
    k_iota = lax.broadcasted_iota(jnp.int32, (1, K), 1)

    big = jnp.int32(2147483647)

    def body(k, carry):
        m, flat_arr, val_arr = carry
        vmax = jnp.max(m, axis=1, keepdims=True)
        i_star = jnp.min(jnp.where(m == vmax, cols_iota, big))
        rowv = att_s[pl.ds(i_star, 1), :]
        j_star = jnp.min(jnp.where(rowv == vmax, lane_iota, big),
                         axis=1, keepdims=True)
        new_row = jnp.where(lane_iota == j_star, NEG, rowv)
        att_s[pl.ds(i_star, 1), :] = new_row
        new_max = jnp.max(new_row, axis=1, keepdims=True)
        m = jnp.where(cols_iota == i_star, new_max, m)
        flat = i_star * 1024 + j_star
        flat_arr = jnp.where(k_iota == k, flat, flat_arr)
        val_arr = jnp.where(k_iota == k, vmax, val_arr)
        return m, flat_arr, val_arr

    _, flat_arr, val_arr = lax.fori_loop(
        0, K, body,
        (m0, jnp.zeros((1, K), jnp.int32), jnp.full((1, K), NEG, jnp.float32)))

    p_arr = flat_arr % P
    n_arr = flat_arr // P
    best_c = jnp.int32(0)
    best_cnt = jnp.sum(jnp.where(p_arr == 0, 1, 0))
    for c in range(1, P):
        cnt = jnp.sum(jnp.where(p_arr == c, 1, 0))
        better = cnt > best_cnt
        best_c = jnp.where(better, jnp.int32(c), best_c)
        best_cnt = jnp.maximum(cnt, best_cnt)
    pos_ref[...] = best_c * jnp.ones((1, 1), jnp.int32)

    flat2 = p_arr * N + n_arr

    def body2(k, carry):
        vrem, n_out = carry
        vmax = jnp.max(vrem, axis=1, keepdims=True)
        f2m = jnp.min(jnp.where(vrem == vmax, flat2, big),
                      axis=1, keepdims=True)
        n_k = f2m % N
        n_out = jnp.where(k_iota == k, n_k, n_out)
        vrem = jnp.where(flat2 == f2m, -3.0e38, vrem)
        return vrem, n_out

    _, n_out = lax.fori_loop(0, K, body2,
                             (val_arr, jnp.zeros((1, K), jnp.int32)))
    idx_ref[...] = n_out


def _topk_call(att2):
    return pl.pallas_call(
        _topk_body,
        out_shape=[
            jax.ShapeDtypeStruct((1, K), jnp.int32),
            jax.ShapeDtypeStruct((1, 1), jnp.int32),
        ],
        scratch_shapes=[pltpu.VMEM((NR, 1024), jnp.float32)],
    )(att2)


NC = 2
NS = 16
NW = NC * NS
BPW = K // NW


@functools.cache
def _make_sc_gather():
    mesh = plsc.VectorSubcoreMesh(core_axis_name="c", subcore_axis_name="s")

    @functools.partial(
        pl.kernel, mesh=mesh,
        out_type=jax.ShapeDtypeStruct((K, Z), jnp.float32),
        scratch_types=[
            pltpu.VMEM((BPW,), jnp.int32),
            pltpu.VMEM((BPW, Z), jnp.float32),
            pltpu.SemaphoreType.DMA,
        ],
    )
    def gk(table_hbm, idx_hbm, out_hbm, idx_v, rows_v, sem):
        wid = lax.axis_index("s") * NC + lax.axis_index("c")
        base = wid * BPW
        pltpu.sync_copy(idx_hbm.at[pl.ds(base, BPW)], idx_v)
        pltpu.async_copy(table_hbm.at[idx_v], rows_v, sem).wait()
        pltpu.sync_copy(rows_v, out_hbm.at[pl.ds(base, BPW)])

    return gk


def _sc_gather(x2, idx):
    return _make_sc_gather()(x2, idx)


def kernel(x, z_proxy, W, b):
    att, loss = _att_loss_call(x, z_proxy, W, b.reshape(1, C))
    att2 = att.reshape(NR, 1024)
    idx2d, pos2d = _topk_call(att2)
    idx = idx2d.reshape(K)
    x2 = x.reshape(N, Z)
    z_topk = _sc_gather(x2, idx).reshape(1, K, Z)
    pos = pos2d[0, 0]
    proxy_pos = lax.dynamic_index_in_dim(z_proxy, pos, axis=0, keepdims=True)
    return loss.reshape(()), z_topk, proxy_pos

# --- scband reference (transcript-rebuilt; emitter-appended) ---
"""Pipeline reference for scband-modality-compress-module-37726992728549 (READ-ONLY COPY).

The authoritative reference and input builder live on the scoring server;
editing this copy changes nothing except your own understanding.
"""

import jax, jax.numpy as jnp
import numpy as np

Z_DIM = 256
SAMPLE_NUM = 50
TOPK = 256
NUM_CLASSES = 4
NUM_PROXIES = NUM_CLASSES * 2


def setup_inputs(seed: int = 0) -> dict:
    key = jax.random.key(seed)
    k1, k2, k3, k4 = jax.random.split(key, 4)
    x = jax.random.normal(k1, (1, 100000, Z_DIM), dtype=jnp.float32)
    # z_proxy: xavier_uniform_ on a [8, 50, 256] tensor (torch convention for ndim>2)
    fan_in = SAMPLE_NUM * Z_DIM
    fan_out = NUM_PROXIES * Z_DIM
    bound = float(np.sqrt(6.0 / (fan_in + fan_out)))
    z_proxy = jax.random.uniform(k2, (NUM_PROXIES, SAMPLE_NUM, Z_DIM), minval=-bound, maxval=bound, dtype=jnp.float32)
    # decoder_logits: nn.Linear(z_dim, num_classes), torch default uniform init
    lim = float(1.0 / np.sqrt(Z_DIM))
    W = jax.random.uniform(k3, (Z_DIM, NUM_CLASSES), minval=-lim, maxval=lim, dtype=jnp.float32)
    b = jax.random.uniform(k4, (NUM_CLASSES,), minval=-lim, maxval=lim, dtype=jnp.float32)
    return {"x": x, "z_proxy": z_proxy, "W": W, "b": b}


def _normalize(v, axis=-1, eps=1e-12):
    n = jnp.linalg.norm(v, axis=axis, keepdims=True)
    return v / jnp.maximum(n, eps)


def _nll_loss(h, y, c, alpha=0.5, eps=1e-7):
    # h: [P, C] logits; y: [P, 1] int time-bin; c: [P, 1] float censor indicator
    hazards = jax.nn.sigmoid(h)
    S = jnp.cumprod(1.0 - hazards, axis=1)
    S_padded = jnp.concatenate([jnp.ones((h.shape[0], 1), dtype=S.dtype), S], axis=1)
    s_prev = jnp.clip(jnp.take_along_axis(S_padded, y, axis=1), eps)
    h_this = jnp.clip(jnp.take_along_axis(hazards, y, axis=1), eps)
    s_this = jnp.clip(jnp.take_along_axis(S_padded, y + 1, axis=1), eps)
    uncensored_loss = -(1.0 - c) * (jnp.log(s_prev) + jnp.log(h_this))
    censored_loss = -c * jnp.log(s_this)
    neg_l = censored_loss + uncensored_loss
    loss = (1.0 - alpha) * neg_l + alpha * uncensored_loss
    return jnp.sum(loss)


def reference(x, z_proxy, W, b):
    # forward with y=None, c=None, return_att=False  (inference / unlabeled branch)
    B, N, _ = x.shape
    z_norm = _normalize(x, axis=-1)

    # proxy survival loss (I(Z;Y) surrogate)
    proxy_logits = jnp.mean(jnp.einsum('psd,dc->psc', z_proxy, W) + b, axis=1)  # [2C, C]
    y_lbl = jnp.tile(jnp.arange(NUM_CLASSES, dtype=jnp.int32), 2)[:, None]      # [2C, 1]
    censor = jnp.concatenate([jnp.zeros((NUM_CLASSES,), jnp.float32), jnp.ones((NUM_CLASSES,), jnp.float32)])[:, None]
    loss_I_ZY = _nll_loss(proxy_logits, y_lbl, censor, alpha=0.5, eps=1e-7)

    # attention between patches and proxy states
    proxy_state = _normalize(jnp.mean(z_proxy, axis=1), axis=-1)  # [2C, d]
    att = jnp.einsum('bnd,pd->bnp', z_norm, proxy_state)          # [B, N, 2C]

    # unlabeled branch: pick positive proxy by top-k voting
    att_unbind_proxy = att.reshape(B, N * NUM_PROXIES)            # cat(unbind(att, dim=1), dim=1)
    att_topk_vals, att_topk_idx = jax.lax.top_k(att_unbind_proxy, TOPK)
    att_topk_idx = att_topk_idx % NUM_PROXIES
    counts = jax.vmap(lambda r: jnp.bincount(r, length=NUM_PROXIES))(att_topk_idx)
    positive_proxy_idx = jnp.argmax(counts, axis=1)               # torch.mode (smallest on ties)
    pos_idx = positive_proxy_idx[0]

    # top-k patch selection over flattened [B, 2C*N]
    att_flat = jnp.transpose(att, (0, 2, 1)).reshape(B, NUM_PROXIES * N)  # cat(unbind(att, dim=2), dim=1)
    _, topk_idx = jax.lax.top_k(att_flat, TOPK)
    topk_idx = topk_idx % N
    z_topk = jnp.take_along_axis(x, topk_idx[:, :, None], axis=1)  # [B, TOPK, d]

    proxy_pos = z_proxy[pos_idx][None]                             # [1, sample_num, d]
    # loss_I_ZX is None in this branch; return float outputs
    return (loss_I_ZY, z_topk, proxy_pos)

if __name__ == "__main__":
    import jax
    _d = setup_inputs()
    print(jax.jit(kernel)(*tuple(_d.values())))

</pallas_src>

<mosaic_0001>
#map = affine_map<(d0, d1) -> (0, 0)>
#map1 = affine_map<(d0, d1) -> (0)>
module attributes {stable_mosaic.version = 14 : i64} {
  func.func @gk(%arg0: i32, %arg1: i32, %arg2: memref<100000x256xf32, #tpu.memory_space<hbm>>, %arg3: memref<256xi32, #tpu.memory_space<hbm>>, %arg4: memref<256x256xf32, #tpu.memory_space<hbm>>, %arg5: memref<8xi32, #tpu.memory_space<vmem>>, %arg6: memref<8x256xf32, #tpu.memory_space<vmem>>, %arg7: memref<!tpu.dma_semaphore, #tpu.memory_space<semaphore_mem>>) attributes {dimension_semantics = [#tpu.dimension_semantics<core_parallel>, #tpu.dimension_semantics<subcore_parallel>], iteration_bounds = array<i64: 2, 16>, scalar_prefetch = 0 : i64, scratch_operands = 3 : i64, tpu.core_type = #tpu.core_type<sc_vector_subcore>, window_params = [{transform_indices = #map}, {transform_indices = #map1}, {transform_indices = #map}]} {
    %mul3A = arith.constant 2 : i32
    %mul3A_0 = arith.muli %arg1, %mul3A : i32
    %add3A = arith.addi %mul3A_0, %arg0 : i32
    %mul3A_1 = arith.constant 8 : i32
    %mul3A_2 = arith.muli %add3A, %mul3A_1 : i32
    "tpu.region"() ({
      %run_scoped3A = tpu.sem_alloc : memref<!tpu.dma_semaphore, #tpu.memory_space<semaphore_mem>>
      %dma_start3A_7 = tpu.memref_slice %arg3[%mul3A_2] : memref<256xi32, #tpu.memory_space<hbm>> -> memref<8xi32, #tpu.memory_space<hbm>>
      %dma_start3A_8 = tpu.memref_slice %arg3[%mul3A_2] : memref<256xi32, #tpu.memory_space<hbm>> -> memref<8xi32, #tpu.memory_space<hbm>>
      tpu.enqueue_dma source(%dma_start3A_8 : memref<8xi32, #tpu.memory_space<hbm>>) target(%arg5 : memref<8xi32, #tpu.memory_space<vmem>>) target_semaphore(%run_scoped3A : memref<!tpu.dma_semaphore, #tpu.memory_space<semaphore_mem>>)
      %dma_wait3A_9 = tpu.memref_slice %arg3[%mul3A_2] : memref<256xi32, #tpu.memory_space<hbm>> -> memref<8xi32, #tpu.memory_space<hbm>>
      %dma_wait3A_10 = tpu.memref_slice %arg3[%mul3A_2] : memref<256xi32, #tpu.memory_space<hbm>> -> memref<8xi32, #tpu.memory_space<hbm>>
      tpu.wait_dma2 semaphore(%run_scoped3A : memref<!tpu.dma_semaphore, #tpu.memory_space<semaphore_mem>>) src(%dma_wait3A_10 : memref<8xi32, #tpu.memory_space<hbm>>) dst(%arg5 : memref<8xi32, #tpu.memory_space<vmem>>)
      tpu.yield
    }) : () -> ()
    %dma_start3A = arith.constant 0 : i32
    %dma_start3A_3 = arith.constant 0 : i32
    %dma_start3A_4 = tpu.memref_slice %arg2[%dma_start3A, %dma_start3A_3] : memref<100000x256xf32, #tpu.memory_space<hbm>> -> memref<100000x256xf32, #tpu.memory_space<hbm>>
    tpu.enqueue_indirect_dma source(%dma_start3A_4 : memref<100000x256xf32, #tpu.memory_space<hbm>>) target(%arg6 : memref<8x256xf32, #tpu.memory_space<vmem>>) offsets(%arg5 : memref<8xi32, #tpu.memory_space<vmem>>) semaphore(%arg7 : memref<!tpu.dma_semaphore, #tpu.memory_space<semaphore_mem>>)
    %dma_wait3A = arith.constant 0 : i32
    %dma_wait3A_5 = arith.constant 0 : i32
    %dma_wait3A_6 = tpu.memref_slice %arg2[%dma_wait3A, %dma_wait3A_5] : memref<100000x256xf32, #tpu.memory_space<hbm>> -> memref<100000x256xf32, #tpu.memory_space<hbm>>
    tpu.wait_indirect_dma semaphore(%arg7 : memref<!tpu.dma_semaphore, #tpu.memory_space<semaphore_mem>>) src(%dma_wait3A_6 : memref<100000x256xf32, #tpu.memory_space<hbm>>) dst(%arg6 : memref<8x256xf32, #tpu.memory_space<vmem>>)
    "tpu.region"() ({
      %run_scoped3A = tpu.sem_alloc : memref<!tpu.dma_semaphore, #tpu.memory_space<semaphore_mem>>
      %dma_start3A_7 = arith.constant 0 : i32
      %dma_start3A_8 = tpu.memref_slice %arg4[%mul3A_2, %dma_start3A_7] : memref<256x256xf32, #tpu.memory_space<hbm>> -> memref<8x256xf32, #tpu.memory_space<hbm>>
      %dma_start3A_9 = arith.constant 0 : i32
      %dma_start3A_10 = tpu.memref_slice %arg4[%mul3A_2, %dma_start3A_9] : memref<256x256xf32, #tpu.memory_space<hbm>> -> memref<8x256xf32, #tpu.memory_space<hbm>>
      tpu.enqueue_dma source(%arg6 : memref<8x256xf32, #tpu.memory_space<vmem>>) target(%dma_start3A_10 : memref<8x256xf32, #tpu.memory_space<hbm>>) target_semaphore(%run_scoped3A : memref<!tpu.dma_semaphore, #tpu.memory_space<semaphore_mem>>)
      %dma_wait3A_11 = arith.constant 0 : i32
      %dma_wait3A_12 = tpu.memref_slice %arg4[%mul3A_2, %dma_wait3A_11] : memref<256x256xf32, #tpu.memory_space<hbm>> -> memref<8x256xf32, #tpu.memory_space<hbm>>
      %dma_wait3A_13 = arith.constant 0 : i32
      %dma_wait3A_14 = tpu.memref_slice %arg4[%mul3A_2, %dma_wait3A_13] : memref<256x256xf32, #tpu.memory_space<hbm>> -> memref<8x256xf32, #tpu.memory_space<hbm>>
      tpu.wait_dma2 semaphore(%run_scoped3A : memref<!tpu.dma_semaphore, #tpu.memory_space<semaphore_mem>>) src(%arg6 : memref<8x256xf32, #tpu.memory_space<vmem>>) dst(%dma_wait3A_14 : memref<8x256xf32, #tpu.memory_space<hbm>>)
      tpu.yield
    }) : () -> ()
    return
  }
}

module attributes {stable_mosaic.version = 14 : i64} {
  func.func @_att_loss_body(%arg0: i32, %arg1: memref<1x4096x256xf32, #tpu.memory_space<vmem>>, %arg2: memref<8x50x256xf32, #tpu.memory_space<vmem>>, %arg3: memref<256x4xf32, #tpu.memory_space<vmem>>, %arg4: memref<1x4xf32, #tpu.memory_space<vmem>>, %arg5: memref<4096x8xf32, #tpu.memory_space<vmem>>, %arg6: memref<1x1xf32, #tpu.memory_space<vmem>>) attributes {dimension_semantics = [#tpu.dimension_semantics<arbitrary>], iteration_bounds = array<i64: 25>, scalar_prefetch = 0 : i64, scratch_operands = 0 : i64, tpu.core_type = #tpu.core_type<tc>, window_params = [{transform_indices = @transform_0, window_bounds = array<i64: 1, 4096, 256>}, {pipeline_mode = #tpu.pipeline_mode<synchronous>, transform_indices = @transform_1, window_bounds = array<i64: 8, 50, 256>}, {pipeline_mode = #tpu.pipeline_mode<synchronous>, transform_indices = @transform_2, window_bounds = array<i64: 256, 4>}, {pipeline_mode = #tpu.pipeline_mode<synchronous>, transform_indices = @transform_3, window_bounds = array<i64: 1, 4>}, {transform_indices = @transform_4, window_bounds = array<i64: 4096, 8>}, {pipeline_mode = #tpu.pipeline_mode<synchronous>, transform_indices = @transform_5, window_bounds = array<i64: 1, 1>}]} {
    %get3A = arith.constant 0 : index
    %get3A_0 = arith.constant 0 : index
    %get3A_1 = arith.constant 0 : index
    %get3A_2 = vector.load %arg1[%get3A, %get3A_0, %get3A_1] : memref<1x4096x256xf32, #tpu.memory_space<vmem>>, vector<1x4096x256xf32>
    %get3A_3 = vector.shape_cast %get3A_2 : vector<1x4096x256xf32> to vector<4096x256xf32>
    %get3A_4 = arith.constant 0 : index
    %get3A_5 = arith.constant 0 : index
    %get3A_6 = arith.constant 0 : index
    %get3A_7 = vector.load %arg2[%get3A_4, %get3A_5, %get3A_6] : memref<8x50x256xf32, #tpu.memory_space<vmem>>, vector<8x50x256xf32>
    %reduce_sum3A = arith.constant dense<0.000000e+00> : vector<8x256xf32>
    %reduce_sum3A_8 = vector.multi_reduction <add>, %get3A_7, %reduce_sum3A [1] : vector<8x50x256xf32> to vector<8x256xf32>
    %div3A = arith.constant 5.000000e+01 : f32
    %div3A_9 = vector.broadcast %div3A : f32 to vector<8x256xf32>
    %div3A_10 = arith.divf %reduce_sum3A_8, %div3A_9 : vector<8x256xf32>
    %mul3A = arith.mulf %div3A_10, %div3A_10 : vector<8x256xf32>
    %reduce_sum3A_11 = arith.constant dense<0.000000e+00> : vector<8xf32>
    %reduce_sum3A_12 = vector.multi_reduction <add>, %mul3A, %reduce_sum3A_11 [1] : vector<8x256xf32> to vector<8xf32>
    %broadcast_in_dim3A = vector.shape_cast %reduce_sum3A_12 : vector<8xf32> to vector<8x1xf32>
    %sqrt3A = math.sqrt %broadcast_in_dim3A : vector<8x1xf32>
    %max3A = arith.constant 9.99999996E-13 : f32
    %max3A_13 = vector.broadcast %max3A : f32 to vector<8x1xf32>
    %max3A_14 = arith.maximumf %sqrt3A, %max3A_13 : vector<8x1xf32>
    %div3A_15 = vector.broadcast %max3A_14 : vector<8x1xf32> to vector<8x256xf32>
    %div3A_16 = arith.divf %div3A_10, %div3A_15 : vector<8x256xf32>
    %mul3A_17 = arith.mulf %get3A_3, %get3A_3 : vector<4096x256xf32>
    %reduce_sum3A_18 = arith.constant dense<0.000000e+00> : vector<4096xf32>
    %reduce_sum3A_19 = vector.multi_reduction <add>, %mul3A_17, %reduce_sum3A_18 [1] : vector<4096x256xf32> to vector<4096xf32>
    %broadcast_in_dim3A_20 = vector.shape_cast %reduce_sum3A_19 : vector<4096xf32> to vector<4096x1xf32>
    %sqrt3A_21 = math.sqrt %broadcast_in_dim3A_20 : vector<4096x1xf32>
    %max3A_22 = arith.constant 9.99999996E-13 : f32
    %max3A_23 = vector.broadcast %max3A_22 : f32 to vector<4096x1xf32>
    %max3A_24 = arith.maximumf %sqrt3A_21, %max3A_23 : vector<4096x1xf32>
    %div3A_25 = vector.broadcast %max3A_24 : vector<4096x1xf32> to vector<4096x256xf32>
    %div3A_26 = arith.divf %get3A_3, %div3A_25 : vector<4096x256xf32>
    %dot_general3A = arith.constant dense<0.000000e+00> : vector<4096x8xf32>
    %dot_general3A_27 = tpu.matmul %div3A_26, %div3A_16, %dot_general3A {dimension_numbers = #tpu.dot_dimension_numbers<[1], [1], [0], [0], [0, 0, 1, 0], [], []>, transpose_lhs_hint = false} : vector<4096x256xf32>, vector<8x256xf32>, vector<4096x8xf32> -> vector<4096x8xf32>
    %mul3A_28 = arith.constant 4096 : i32
    %mul3A_29 = arith.muli %arg0, %mul3A_28 : i32
    %iota3A = tpu.iota {dimensions = array<i32: 0>} : vector<4096x1xi32>
    %add3A = vector.broadcast %mul3A_29 : i32 to vector<4096x1xi32>
    %add3A_30 = arith.addi %add3A, %iota3A : vector<4096x1xi32>
    %lt3A = arith.constant 100000 : i32
    %lt3A_31 = vector.broadcast %lt3A : i32 to vector<4096x1xi32>
    %lt3A_32 = arith.cmpi slt, %add3A_30, %lt3A_31 : vector<4096x1xi32>
    %jit3A = arith.constant -1.000000e+30 : f32
    %broadcast_in_dim3A_33 = vector.shape_cast %lt3A_32 : vector<4096x1xi1> to vector<4096x1xi1>
    %broadcast_in_dim3A_34 = vector.broadcast %broadcast_in_dim3A_33 : vector<4096x1xi1> to vector<4096x8xi1>
    %broadcast_in_dim3A_35 = vector.broadcast %jit3A : f32 to vector<4096x8xf32>
    %select_n3A = arith.select %broadcast_in_dim3A_34, %dot_general3A_27, %broadcast_in_dim3A_35 : vector<4096x8xi1>, vector<4096x8xf32>
    %swap3A = arith.constant 0 : index
    %swap3A_36 = arith.constant 0 : index
    %swap3A_37 = vector.load %arg5[%swap3A, %swap3A_36] : memref<4096x8xf32, #tpu.memory_space<vmem>>, vector<4096x8xf32>
    tpu.vector_store %arg5[%swap3A, %swap3A_36], %select_n3A {strides = array<i32>} : memref<4096x8xf32, #tpu.memory_space<vmem>>, vector<4096x8xf32>,
    %eq3A = arith.constant 0 : i32
    %eq3A_38 = arith.cmpi eq, %arg0, %eq3A : i32
    %convert_element_type3A = arith.extui %eq3A_38 : i1 to i32
    %cond3A = arith.constant 0 : i32
    %cond3A_39 = arith.cmpi ne, %convert_element_type3A, %cond3A : i32
    scf.if %cond3A_39 {
      %get3A_40 = arith.constant 0 : index
      %get3A_41 = arith.constant 0 : index
      %get3A_42 = vector.load %arg3[%get3A_40, %get3A_41] : memref<256x4xf32, #tpu.memory_space<vmem>>, vector<256x4xf32>
      %dot_general3A_43 = arith.constant dense<0.000000e+00> : vector<8x4xf32>
      %dot_general3A_44 = tpu.matmul %div3A_10, %get3A_42, %dot_general3A_43 {dimension_numbers = #tpu.dot_dimension_numbers<[1], [0], [0], [1], [0, 0, 1, 1], [], []>, transpose_lhs_hint = false} : vector<8x256xf32>, vector<256x4xf32>, vector<8x4xf32> -> vector<8x4xf32>
      %get3A_45 = arith.constant 0 : index
      %get3A_46 = arith.constant 0 : index
      %get3A_47 = vector.load %arg4[%get3A_45, %get3A_46] : memref<1x4xf32, #tpu.memory_space<vmem>>, vector<1x4xf32>
      %add3A_48 = vector.broadcast %get3A_47 : vector<1x4xf32> to vector<8x4xf32>
      %add3A_49 = arith.addf %dot_general3A_44, %add3A_48 : vector<8x4xf32>
      %logistic3A = arith.negf %add3A_49 : vector<8x4xf32>
      %logistic3A_50 = math.exp %logistic3A : vector<8x4xf32>
      %logistic3A_51 = arith.constant 1.000000e+00 : f32
      %logistic3A_52 = vector.broadcast %logistic3A_51 : f32 to vector<8x4xf32>
      %logistic3A_53 = arith.addf %logistic3A_52, %logistic3A_50 : vector<8x4xf32>
      %logistic3A_54 = arith.divf %logistic3A_52, %logistic3A_53 : vector<8x4xf32>
      %sub3A = arith.constant 1.000000e+00 : f32
      %sub3A_55 = vector.broadcast %sub3A : f32 to vector<8x4xf32>
      %sub3A_56 = arith.subf %sub3A_55, %logistic3A_54 : vector<8x4xf32>
      %slice3A = vector.extract_strided_slice %sub3A_56 {offsets = [0, 0], sizes = [8, 1], strides = [1, 1]} : vector<8x4xf32> to vector<8x1xf32>
      %slice3A_57 = vector.extract_strided_slice %sub3A_56 {offsets = [0, 1], sizes = [8, 1], strides = [1, 1]} : vector<8x4xf32> to vector<8x1xf32>
      %mul3A_58 = arith.mulf %slice3A, %slice3A_57 : vector<8x1xf32>
      %slice3A_59 = vector.extract_strided_slice %sub3A_56 {offsets = [0, 2], sizes = [8, 1], strides = [1, 1]} : vector<8x4xf32> to vector<8x1xf32>
      %mul3A_60 = arith.mulf %mul3A_58, %slice3A_59 : vector<8x1xf32>
      %slice3A_61 = vector.extract_strided_slice %sub3A_56 {offsets = [0, 3], sizes = [8, 1], strides = [1, 1]} : vector<8x4xf32> to vector<8x1xf32>
      %mul3A_62 = arith.mulf %mul3A_60, %slice3A_61 : vector<8x1xf32>
      %broadcast_in_dim3A_63 = arith.constant 1.000000e+00 : f32
      %broadcast_in_dim3A_64 = vector.broadcast %broadcast_in_dim3A_63 : f32 to vector<8x1xf32>
      %concatenate3A = tpu.concatenate %broadcast_in_dim3A_64, %slice3A, %mul3A_58, %mul3A_60, %mul3A_62 in 1 : vector<8x1xf32>, vector<8x1xf32>, vector<8x1xf32>, vector<8x1xf32>, vector<8x1xf32> -> vector<8x5xf32>
      %iota3A_65 = tpu.iota {dimensions = array<i32: 0>} : vector<8x1xi32>
      %jit3A_66 = arith.constant 4 : i32
      %eq3A_67 = arith.constant 0 : i32
      %eq3A_68 = arith.cmpi eq, %jit3A_66, %eq3A_67 : i32
      %jit3A_69 = arith.constant 1 : i32
      %select_n3A_70 = arith.select %eq3A_68, %jit3A_69, %jit3A_66 : i32
      %rem3A = vector.broadcast %select_n3A_70 : i32 to vector<8x1xi32>
      %rem3A_71 = arith.remsi %iota3A_65, %rem3A : vector<8x1xi32>
      %ne3A = arith.constant 0 : i32
      %ne3A_72 = vector.broadcast %ne3A : i32 to vector<8x1xi32>
      %ne3A_73 = arith.cmpi ne, %rem3A_71, %ne3A_72 : vector<8x1xi32>
      %lt3A_74 = arith.constant 0 : i32
      %lt3A_75 = vector.broadcast %lt3A_74 : i32 to vector<8x1xi32>
      %lt3A_76 = arith.cmpi slt, %rem3A_71, %lt3A_75 : vector<8x1xi32>
      %lt3A_77 = arith.constant 0 : i32
      %lt3A_78 = arith.cmpi slt, %select_n3A_70, %lt3A_77 : i32
      %ne3A_79 = vector.broadcast %lt3A_78 : i1 to vector<8x1xi1>
      %ne3A_80 = vector.broadcast %ne3A_79 : vector<8x1xi1> to vector<8x1xi1>
      %ne3A_81 = arith.xori %lt3A_76, %ne3A_80 : vector<8x1xi1>
      %and3A = arith.andi %ne3A_81, %ne3A_73 : vector<8x1xi1>
      %add3A_82 = vector.broadcast %select_n3A_70 : i32 to vector<8x1xi32>
      %add3A_83 = arith.addi %rem3A_71, %add3A_82 : vector<8x1xi32>
      %select_n3A_84 = arith.select %and3A, %add3A_83, %rem3A_71 : vector<8x1xi1>, vector<8x1xi32>
      %iota3A_85 = tpu.iota {dimensions = array<i32: 1>} : vector<8x5xi32>
      %iota3A_86 = tpu.iota {dimensions = array<i32: 1>} : vector<8x4xi32>
      %eq3A_87 = vector.broadcast %select_n3A_84 : vector<8x1xi32> to vector<8x5xi32>
      %eq3A_88 = arith.cmpi eq, %iota3A_85, %eq3A_87 : vector<8x5xi32>
      %jit3A_89 = arith.constant 0.000000e+00 : f32
      %broadcast_in_dim3A_90 = vector.broadcast %jit3A_89 : f32 to vector<8x5xf32>
      %select_n3A_91 = arith.select %eq3A_88, %concatenate3A, %broadcast_in_dim3A_90 : vector<8x5xi1>, vector<8x5xf32>
      %reduce_sum3A_92 = arith.constant dense<0.000000e+00> : vector<8xf32>
      %reduce_sum3A_93 = vector.multi_reduction <add>, %select_n3A_91, %reduce_sum3A_92 [1] : vector<8x5xf32> to vector<8xf32>
      %broadcast_in_dim3A_94 = vector.shape_cast %reduce_sum3A_93 : vector<8xf32> to vector<8x1xf32>
      %max3A_95 = arith.constant 1.000000e-07 : f32
      %max3A_96 = vector.broadcast %max3A_95 : f32 to vector<8x1xf32>
      %max3A_97 = arith.maximumf %broadcast_in_dim3A_94, %max3A_96 : vector<8x1xf32>
      %add3A_98 = arith.constant 1 : i32
      %add3A_99 = vector.broadcast %add3A_98 : i32 to vector<8x1xi32>
      %add3A_100 = arith.addi %select_n3A_84, %add3A_99 : vector<8x1xi32>
      %eq3A_101 = vector.broadcast %add3A_100 : vector<8x1xi32> to vector<8x5xi32>
      %eq3A_102 = arith.cmpi eq, %iota3A_85, %eq3A_101 : vector<8x5xi32>
      %jit3A_103 = arith.constant 0.000000e+00 : f32
      %broadcast_in_dim3A_104 = vector.broadcast %jit3A_103 : f32 to vector<8x5xf32>
      %select_n3A_105 = arith.select %eq3A_102, %concatenate3A, %broadcast_in_dim3A_104 : vector<8x5xi1>, vector<8x5xf32>
      %reduce_sum3A_106 = arith.constant dense<0.000000e+00> : vector<8xf32>
      %reduce_sum3A_107 = vector.multi_reduction <add>, %select_n3A_105, %reduce_sum3A_106 [1] : vector<8x5xf32> to vector<8xf32>
      %broadcast_in_dim3A_108 = vector.shape_cast %reduce_sum3A_107 : vector<8xf32> to vector<8x1xf32>
      %max3A_109 = arith.constant 1.000000e-07 : f32
      %max3A_110 = vector.broadcast %max3A_109 : f32 to vector<8x1xf32>
      %max3A_111 = arith.maximumf %broadcast_in_dim3A_108, %max3A_110 : vector<8x1xf32>
      %eq3A_112 = vector.broadcast %select_n3A_84 : vector<8x1xi32> to vector<8x4xi32>
      %eq3A_113 = arith.cmpi eq, %iota3A_86, %eq3A_112 : vector<8x4xi32>
      %jit3A_114 = arith.constant 0.000000e+00 : f32
      %broadcast_in_dim3A_115 = vector.broadcast %jit3A_114 : f32 to vector<8x4xf32>
      %select_n3A_116 = arith.select %eq3A_113, %logistic3A_54, %broadcast_in_dim3A_115 : vector<8x4xi1>, vector<8x4xf32>
      %reduce_sum3A_117 = arith.constant dense<0.000000e+00> : vector<8xf32>
      %reduce_sum3A_118 = vector.multi_reduction <add>, %select_n3A_116, %reduce_sum3A_117 [1] : vector<8x4xf32> to vector<8xf32>
      %broadcast_in_dim3A_119 = vector.shape_cast %reduce_sum3A_118 : vector<8xf32> to vector<8x1xf32>
      %max3A_120 = arith.constant 1.000000e-07 : f32
      %max3A_121 = vector.broadcast %max3A_120 : f32 to vector<8x1xf32>
      %max3A_122 = arith.maximumf %broadcast_in_dim3A_119, %max3A_121 : vector<8x1xf32>
      %ge3A = arith.constant 4 : i32
      %ge3A_123 = vector.broadcast %ge3A : i32 to vector<8x1xi32>
      %ge3A_124 = arith.cmpi sge, %iota3A_65, %ge3A_123 : vector<8x1xi32>
      %jit3A_125 = arith.constant 1.000000e+00 : f32
      %jit3A_126 = arith.constant 0.000000e+00 : f32
      %broadcast_in_dim3A_127 = vector.broadcast %jit3A_125 : f32 to vector<8x1xf32>
      %broadcast_in_dim3A_128 = vector.broadcast %jit3A_126 : f32 to vector<8x1xf32>
      %select_n3A_129 = arith.select %ge3A_124, %broadcast_in_dim3A_127, %broadcast_in_dim3A_128 : vector<8x1xi1>, vector<8x1xf32>
      %sub3A_130 = arith.constant 1.000000e+00 : f32
      %sub3A_131 = vector.broadcast %sub3A_130 : f32 to vector<8x1xf32>
      %sub3A_132 = arith.subf %sub3A_131, %select_n3A_129 : vector<8x1xf32>
      %neg3A = arith.constant 0.000000e+00 : f32
      %neg3A_133 = vector.broadcast %neg3A : f32 to vector<8x1xf32>
      %neg3A_134 = arith.subf %neg3A_133, %sub3A_132 : vector<8x1xf32>
      %log3A = math.log %max3A_97 : vector<8x1xf32>
      %log3A_135 = math.log %max3A_122 : vector<8x1xf32>
      %add3A_136 = arith.addf %log3A, %log3A_135 : vector<8x1xf32>
      %mul3A_137 = arith.mulf %neg3A_134, %add3A_136 : vector<8x1xf32>
      %neg3A_138 = arith.constant 0.000000e+00 : f32
      %neg3A_139 = vector.broadcast %neg3A_138 : f32 to vector<8x1xf32>
      %neg3A_140 = arith.subf %neg3A_139, %select_n3A_129 : vector<8x1xf32>
      %log3A_141 = math.log %max3A_111 : vector<8x1xf32>
      %mul3A_142 = arith.mulf %neg3A_140, %log3A_141 : vector<8x1xf32>
      %add3A_143 = arith.addf %mul3A_142, %mul3A_137 : vector<8x1xf32>
      %mul3A_144 = arith.constant 5.000000e-01 : f32
      %mul3A_145 = vector.broadcast %mul3A_144 : f32 to vector<8x1xf32>
      %mul3A_146 = arith.mulf %mul3A_145, %add3A_143 : vector<8x1xf32>
      %mul3A_147 = arith.constant 5.000000e-01 : f32
      %mul3A_148 = vector.broadcast %mul3A_147 : f32 to vector<8x1xf32>
      %mul3A_149 = arith.mulf %mul3A_148, %mul3A_137 : vector<8x1xf32>
      %add3A_150 = arith.addf %mul3A_146, %mul3A_149 : vector<8x1xf32>
      %reduce_sum3A_151 = arith.constant dense<0.000000e+00> : vector<1xf32>
      %reduce_sum3A_152 = vector.multi_reduction <add>, %add3A_150, %reduce_sum3A_151 [0] : vector<8x1xf32> to vector<1xf32>
      %broadcast_in_dim3A_153 = vector.shape_cast %reduce_sum3A_152 : vector<1xf32> to vector<1x1xf32>
      %swap3A_154 = arith.constant 0 : index
      %swap3A_155 = arith.constant 0 : index
      %swap3A_156 = vector.load %arg6[%swap3A_154, %swap3A_155] : memref<1x1xf32, #tpu.memory_space<vmem>>, vector<1x1xf32>
      tpu.vector_store %arg6[%swap3A_154, %swap3A_155], %broadcast_in_dim3A_153 {strides = array<i32>} : memref<1x1xf32, #tpu.memory_space<vmem>>, vector<1x1xf32>,
    } else {
    }
    return
  }
  func.func @transform_0(%arg0: i32) -> (i32, i32, i32) {
    %c0_i32 = arith.constant 0 : i32
    %c0_i32_0 = arith.constant 0 : i32
    %c0_i32_1 = arith.constant 0 : i32
    return %c0_i32, %arg0, %c0_i32_0 : i32, i32, i32
  }
  func.func @transform_1(%arg0: i32) -> (i32, i32, i32) {
    %c0_i32 = arith.constant 0 : i32
    %c0_i32_0 = arith.constant 0 : i32
    %c0_i32_1 = arith.constant 0 : i32
    %c0_i32_2 = arith.constant 0 : i32
    return %c0_i32, %c0_i32_0, %c0_i32_1 : i32, i32, i32
  }
  func.func @transform_2(%arg0: i32) -> (i32, i32) {
    %c0_i32 = arith.constant 0 : i32
    %c0_i32_0 = arith.constant 0 : i32
    %c0_i32_1 = arith.constant 0 : i32
    return %c0_i32, %c0_i32_0 : i32, i32
  }
  func.func @transform_3(%arg0: i32) -> (i32, i32) {
    %c0_i32 = arith.constant 0 : i32
    %c0_i32_0 = arith.constant 0 : i32
    %c0_i32_1 = arith.constant 0 : i32
    return %c0_i32, %c0_i32_0 : i32, i32
  }
  func.func @transform_4(%arg0: i32) -> (i32, i32) {
    %c0_i32 = arith.constant 0 : i32
    %c0_i32_0 = arith.constant 0 : i32
    return %arg0, %c0_i32 : i32, i32
  }
  func.func @transform_5(%arg0: i32) -> (i32, i32) {
    %c0_i32 = arith.constant 0 : i32
    %c0_i32_0 = arith.constant 0 : i32
    %c0_i32_1 = arith.constant 0 : i32
    return %c0_i32, %c0_i32_0 : i32, i32
  }
}

module attributes {stable_mosaic.version = 14 : i64} {
  func.func @_topk_body(%arg0: memref<800x1024xf32, #tpu.memory_space<vmem>>, %arg1: memref<1x256xi32, #tpu.memory_space<vmem>>, %arg2: memref<1x1xi32, #tpu.memory_space<vmem>>, %arg3: memref<800x1024xf32, #tpu.memory_space<vmem>>) attributes {dimension_semantics = [], scalar_prefetch = 0 : i64, scratch_operands = 1 : i64, tpu.core_type = #tpu.core_type<tc>} {
    %get3A = arith.constant 0 : index
    %get3A_0 = arith.constant 0 : index
    %get3A_1 = vector.load %arg0[%get3A, %get3A_0] : memref<800x1024xf32, #tpu.memory_space<vmem>>, vector<800x1024xf32>
    %swap3A = arith.constant 0 : index
    %swap3A_2 = arith.constant 0 : index
    %swap3A_3 = vector.load %arg3[%swap3A, %swap3A_2] : memref<800x1024xf32, #tpu.memory_space<vmem>>, vector<800x1024xf32>
    tpu.vector_store %arg3[%swap3A, %swap3A_2], %get3A_1 {strides = array<i32>} : memref<800x1024xf32, #tpu.memory_space<vmem>>, vector<800x1024xf32>,
    %reduce_max3A = arith.constant dense<0xFF800000> : vector<800xf32>
    %reduce_max3A_4 = vector.multi_reduction <maximumf>, %get3A_1, %reduce_max3A [1] : vector<800x1024xf32> to vector<800xf32>
    %reshape3A = vector.shape_cast %reduce_max3A_4 : vector<800xf32> to vector<1x800xf32>
    %iota3A = tpu.iota {dimensions = array<i32: 1>} : vector<1x800xi32>
    %iota3A_5 = tpu.iota {dimensions = array<i32: 1>} : vector<1x1024xi32>
    %iota3A_6 = tpu.iota {dimensions = array<i32: 1>} : vector<1x256xi32>
    %broadcast_in_dim3A = arith.constant 0 : i32
    %broadcast_in_dim3A_7 = vector.broadcast %broadcast_in_dim3A : i32 to vector<1x256xi32>
    %broadcast_in_dim3A_8 = arith.constant -1.000000e+30 : f32
    %broadcast_in_dim3A_9 = vector.broadcast %broadcast_in_dim3A_8 : f32 to vector<1x256xf32>
    %scan3A = arith.constant 2147483647 : i32
    %scan3A_10 = arith.constant 0 : i32
    %scan3A_11 = arith.constant 256 : i32
    %scan3A_12 = arith.addi %scan3A_10, %scan3A_11 : i32
    %scan3A_13 = arith.constant 1 : i32
    %scan3A_14:3 = scf.for %scan3A_209 = %scan3A_10 to %scan3A_12 step %scan3A_13 iter_args(%scan3A_210 = %reshape3A, %scan3A_211 = %broadcast_in_dim3A_7, %scan3A_212 = %broadcast_in_dim3A_9) -> (vector<1x800xf32>, vector<1x256xi32>, vector<1x256xf32>)  : i32 {
      %reduce_max3A_213 = arith.constant dense<0xFF800000> : vector<1xf32>
      %reduce_max3A_214 = vector.multi_reduction <maximumf>, %scan3A_210, %reduce_max3A_213 [1] : vector<1x800xf32> to vector<1xf32>
      %broadcast_in_dim3A_215 = vector.shape_cast %reduce_max3A_214 : vector<1xf32> to vector<1x1xf32>
      %eq3A_216 = vector.broadcast %broadcast_in_dim3A_215 : vector<1x1xf32> to vector<1x800xf32>
      %eq3A_217 = arith.cmpf oeq, %scan3A_210, %eq3A_216 : vector<1x800xf32>
      %broadcast_in_dim3A_218 = vector.broadcast %scan3A : i32 to vector<1x800xi32>
      %select_n3A_219 = arith.select %eq3A_217, %iota3A, %broadcast_in_dim3A_218 : vector<1x800xi1>, vector<1x800xi32>
      %reduce_min3A = vector.shape_cast %select_n3A_219 : vector<1x800xi32> to vector<1x1x800xi32>
      %reduce_min3A_220 = arith.constant dense<2147483647> : vector<1xi32>
      %reduce_min3A_221 = vector.multi_reduction <minsi>, %reduce_min3A, %reduce_min3A_220 [1, 2] : vector<1x1x800xi32> to vector<1xi32>
      %reduce_min3A_222 = vector.shape_cast %reduce_min3A_221 : vector<1xi32> to vector<1x1x1xi32>
      %reduce_min3A_223 = vector.extract %reduce_min3A_222[0, 0, 0] : i32 from vector<1x1x1xi32>
      %get3A_224 = arith.index_cast %reduce_min3A_223 : i32 to index
      %get3A_225 = arith.constant 0 : index
      %get3A_226 = vector.load %arg3[%get3A_224, %get3A_225] : memref<800x1024xf32, #tpu.memory_space<vmem>>, vector<1x1024xf32>
      %eq3A_227 = vector.broadcast %broadcast_in_dim3A_215 : vector<1x1xf32> to vector<1x1024xf32>
      %eq3A_228 = arith.cmpf oeq, %get3A_226, %eq3A_227 : vector<1x1024xf32>
      %broadcast_in_dim3A_229 = vector.broadcast %scan3A : i32 to vector<1x1024xi32>
      %select_n3A_230 = arith.select %eq3A_228, %iota3A_5, %broadcast_in_dim3A_229 : vector<1x1024xi1>, vector<1x1024xi32>
      %reduce_min3A_231 = arith.constant dense<2147483647> : vector<1xi32>
      %reduce_min3A_232 = vector.multi_reduction <minsi>, %select_n3A_230, %reduce_min3A_231 [1] : vector<1x1024xi32> to vector<1xi32>
      %broadcast_in_dim3A_233 = vector.shape_cast %reduce_min3A_232 : vector<1xi32> to vector<1x1xi32>
      %eq3A_234 = vector.broadcast %broadcast_in_dim3A_233 : vector<1x1xi32> to vector<1x1024xi32>
      %eq3A_235 = arith.cmpi eq, %iota3A_5, %eq3A_234 : vector<1x1024xi32>
      %jit3A_236 = arith.constant -1.000000e+30 : f32
      %broadcast_in_dim3A_237 = vector.broadcast %jit3A_236 : f32 to vector<1x1024xf32>
      %select_n3A_238 = arith.select %eq3A_235, %broadcast_in_dim3A_237, %get3A_226 : vector<1x1024xi1>, vector<1x1024xf32>
      %swap3A_239 = arith.index_cast %reduce_min3A_223 : i32 to index
      %swap3A_240 = arith.constant 0 : index
      %swap3A_241 = vector.load %arg3[%swap3A_239, %swap3A_240] : memref<800x1024xf32, #tpu.memory_space<vmem>>, vector<1x1024xf32>
      tpu.vector_store %arg3[%swap3A_239, %swap3A_240], %select_n3A_238 {strides = array<i32>} : memref<800x1024xf32, #tpu.memory_space<vmem>>, vector<1x1024xf32>,
      %reduce_max3A_242 = arith.constant dense<0xFF800000> : vector<1xf32>
      %reduce_max3A_243 = vector.multi_reduction <maximumf>, %select_n3A_238, %reduce_max3A_242 [1] : vector<1x1024xf32> to vector<1xf32>
      %broadcast_in_dim3A_244 = vector.shape_cast %reduce_max3A_243 : vector<1xf32> to vector<1x1xf32>
      %eq3A_245 = vector.broadcast %reduce_min3A_223 : i32 to vector<1x800xi32>
      %eq3A_246 = arith.cmpi eq, %iota3A, %eq3A_245 : vector<1x800xi32>
      %broadcast_in_dim3A_247 = vector.shape_cast %broadcast_in_dim3A_244 : vector<1x1xf32> to vector<1x1xf32>
      %broadcast_in_dim3A_248 = vector.broadcast %broadcast_in_dim3A_247 : vector<1x1xf32> to vector<1x800xf32>
      %select_n3A_249 = arith.select %eq3A_246, %broadcast_in_dim3A_248, %scan3A_210 : vector<1x800xi1>, vector<1x800xf32>
      %mul3A_250 = arith.constant 1024 : i32
      %mul3A_251 = arith.muli %reduce_min3A_223, %mul3A_250 : i32
      %add3A_252 = vector.broadcast %mul3A_251 : i32 to vector<1x1xi32>
      %add3A_253 = arith.addi %add3A_252, %broadcast_in_dim3A_233 : vector<1x1xi32>
      %eq3A_254 = vector.broadcast %scan3A_209 : i32 to vector<1x256xi32>
      %eq3A_255 = arith.cmpi eq, %iota3A_6, %eq3A_254 : vector<1x256xi32>
      %broadcast_in_dim3A_256 = vector.shape_cast %add3A_253 : vector<1x1xi32> to vector<1x1xi32>
      %broadcast_in_dim3A_257 = vector.broadcast %broadcast_in_dim3A_256 : vector<1x1xi32> to vector<1x256xi32>
      %select_n3A_258 = arith.select %eq3A_255, %broadcast_in_dim3A_257, %scan3A_211 : vector<1x256xi1>, vector<1x256xi32>
      %eq3A_259 = vector.broadcast %scan3A_209 : i32 to vector<1x256xi32>
      %eq3A_260 = arith.cmpi eq, %iota3A_6, %eq3A_259 : vector<1x256xi32>
      %broadcast_in_dim3A_261 = vector.shape_cast %broadcast_in_dim3A_215 : vector<1x1xf32> to vector<1x1xf32>
      %broadcast_in_dim3A_262 = vector.broadcast %broadcast_in_dim3A_261 : vector<1x1xf32> to vector<1x256xf32>
      %select_n3A_263 = arith.select %eq3A_260, %broadcast_in_dim3A_262, %scan3A_212 : vector<1x256xi1>, vector<1x256xf32>
      scf.yield %select_n3A_249, %select_n3A_258, %select_n3A_263 : vector<1x800xf32>, vector<1x256xi32>, vector<1x256xf32>
    }
    %scan3A_15 = arith.constant 256 : i32
    %jit3A = arith.constant 8 : i32
    %eq3A = arith.constant 0 : i32
    %eq3A_16 = arith.cmpi eq, %jit3A, %eq3A : i32
    %jit3A_17 = arith.constant 1 : i32
    %select_n3A = arith.select %eq3A_16, %jit3A_17, %jit3A : i32
    %rem3A = vector.broadcast %select_n3A : i32 to vector<1x256xi32>
    %rem3A_18 = arith.remsi %scan3A_14#1, %rem3A : vector<1x256xi32>
    %ne3A = arith.constant 0 : i32
    %ne3A_19 = vector.broadcast %ne3A : i32 to vector<1x256xi32>
    %ne3A_20 = arith.cmpi ne, %rem3A_18, %ne3A_19 : vector<1x256xi32>
    %lt3A = arith.constant 0 : i32
    %lt3A_21 = vector.broadcast %lt3A : i32 to vector<1x256xi32>
    %lt3A_22 = arith.cmpi slt, %rem3A_18, %lt3A_21 : vector<1x256xi32>
    %lt3A_23 = arith.constant 0 : i32
    %lt3A_24 = arith.cmpi slt, %select_n3A, %lt3A_23 : i32
    %ne3A_25 = vector.broadcast %lt3A_24 : i1 to vector<1x256xi1>
    %ne3A_26 = vector.broadcast %ne3A_25 : vector<1x256xi1> to vector<1x256xi1>
    %ne3A_27 = arith.xori %lt3A_22, %ne3A_26 : vector<1x256xi1>
    %and3A = arith.andi %ne3A_27, %ne3A_20 : vector<1x256xi1>
    %add3A = vector.broadcast %select_n3A : i32 to vector<1x256xi32>
    %add3A_28 = arith.addi %rem3A_18, %add3A : vector<1x256xi32>
    %select_n3A_29 = arith.select %and3A, %add3A_28, %rem3A_18 : vector<1x256xi1>, vector<1x256xi32>
    %jit3A_30 = arith.constant 8 : i32
    %div3A = vector.broadcast %jit3A_30 : i32 to vector<1x256xi32>
    %div3A_31 = arith.divsi %scan3A_14#1, %div3A : vector<1x256xi32>
    %sign3A = arith.constant 0 : i32
    %sign3A_32 = vector.broadcast %sign3A : i32 to vector<1x256xi32>
    %sign3A_33 = arith.cmpi sgt, %scan3A_14#1, %sign3A_32 : vector<1x256xi32>
    %sign3A_34 = arith.extui %sign3A_33 : vector<1x256xi1> to vector<1x256xi32>
    %sign3A_35 = arith.constant 0 : i32
    %sign3A_36 = vector.broadcast %sign3A_35 : i32 to vector<1x256xi32>
    %sign3A_37 = arith.cmpi slt, %scan3A_14#1, %sign3A_36 : vector<1x256xi32>
    %sign3A_38 = arith.extui %sign3A_37 : vector<1x256xi1> to vector<1x256xi32>
    %sign3A_39 = arith.subi %sign3A_34, %sign3A_38 : vector<1x256xi32>
    %sign3A_40 = arith.constant 0 : i32
    %sign3A_41 = arith.cmpi sgt, %jit3A_30, %sign3A_40 : i32
    %sign3A_42 = arith.extui %sign3A_41 : i1 to i32
    %sign3A_43 = arith.constant 0 : i32
    %sign3A_44 = arith.cmpi slt, %jit3A_30, %sign3A_43 : i32
    %sign3A_45 = arith.extui %sign3A_44 : i1 to i32
    %sign3A_46 = arith.subi %sign3A_42, %sign3A_45 : i32
    %ne3A_47 = vector.broadcast %sign3A_46 : i32 to vector<1x256xi32>
    %ne3A_48 = arith.cmpi ne, %sign3A_39, %ne3A_47 : vector<1x256xi32>
    %rem3A_49 = vector.broadcast %jit3A_30 : i32 to vector<1x256xi32>
    %rem3A_50 = arith.remsi %scan3A_14#1, %rem3A_49 : vector<1x256xi32>
    %ne3A_51 = arith.constant 0 : i32
    %ne3A_52 = vector.broadcast %ne3A_51 : i32 to vector<1x256xi32>
    %ne3A_53 = arith.cmpi ne, %rem3A_50, %ne3A_52 : vector<1x256xi32>
    %and3A_54 = arith.andi %ne3A_48, %ne3A_53 : vector<1x256xi1>
    %sub3A = arith.constant 1 : i32
    %sub3A_55 = vector.broadcast %sub3A : i32 to vector<1x256xi32>
    %sub3A_56 = arith.subi %div3A_31, %sub3A_55 : vector<1x256xi32>
    %select_n3A_57 = arith.select %and3A_54, %sub3A_56, %div3A_31 : vector<1x256xi1>, vector<1x256xi32>
    %eq3A_58 = arith.constant 0 : i32
    %eq3A_59 = vector.broadcast %eq3A_58 : i32 to vector<1x256xi32>
    %eq3A_60 = arith.cmpi eq, %select_n3A_29, %eq3A_59 : vector<1x256xi32>
    %jit3A_61 = arith.constant 1 : i32
    %jit3A_62 = arith.constant 0 : i32
    %broadcast_in_dim3A_63 = vector.broadcast %jit3A_61 : i32 to vector<1x256xi32>
    %broadcast_in_dim3A_64 = vector.broadcast %jit3A_62 : i32 to vector<1x256xi32>
    %select_n3A_65 = arith.select %eq3A_60, %broadcast_in_dim3A_63, %broadcast_in_dim3A_64 : vector<1x256xi1>, vector<1x256xi32>
    %reduce_sum3A = vector.shape_cast %select_n3A_65 : vector<1x256xi32> to vector<1x1x256xi32>
    %reduce_sum3A_66 = arith.constant dense<0> : vector<1xi32>
    %reduce_sum3A_67 = vector.multi_reduction <add>, %reduce_sum3A, %reduce_sum3A_66 [1, 2] : vector<1x1x256xi32> to vector<1xi32>
    %reduce_sum3A_68 = vector.shape_cast %reduce_sum3A_67 : vector<1xi32> to vector<1x1x1xi32>
    %reduce_sum3A_69 = vector.extract %reduce_sum3A_68[0, 0, 0] : i32 from vector<1x1x1xi32>
    %eq3A_70 = arith.constant 1 : i32
    %eq3A_71 = vector.broadcast %eq3A_70 : i32 to vector<1x256xi32>
    %eq3A_72 = arith.cmpi eq, %select_n3A_29, %eq3A_71 : vector<1x256xi32>
    %jit3A_73 = arith.constant 1 : i32
    %jit3A_74 = arith.constant 0 : i32
    %broadcast_in_dim3A_75 = vector.broadcast %jit3A_73 : i32 to vector<1x256xi32>
    %broadcast_in_dim3A_76 = vector.broadcast %jit3A_74 : i32 to vector<1x256xi32>
    %select_n3A_77 = arith.select %eq3A_72, %broadcast_in_dim3A_75, %broadcast_in_dim3A_76 : vector<1x256xi1>, vector<1x256xi32>
    %reduce_sum3A_78 = vector.shape_cast %select_n3A_77 : vector<1x256xi32> to vector<1x1x256xi32>
    %reduce_sum3A_79 = arith.constant dense<0> : vector<1xi32>
    %reduce_sum3A_80 = vector.multi_reduction <add>, %reduce_sum3A_78, %reduce_sum3A_79 [1, 2] : vector<1x1x256xi32> to vector<1xi32>
    %reduce_sum3A_81 = vector.shape_cast %reduce_sum3A_80 : vector<1xi32> to vector<1x1x1xi32>
    %reduce_sum3A_82 = vector.extract %reduce_sum3A_81[0, 0, 0] : i32 from vector<1x1x1xi32>
    %gt3A = arith.cmpi sgt, %reduce_sum3A_82, %reduce_sum3A_69 : i32
    %jit3A_83 = arith.constant 1 : i32
    %jit3A_84 = arith.constant 0 : i32
    %select_n3A_85 = arith.select %gt3A, %jit3A_83, %jit3A_84 : i32
    %max3A = arith.maxsi %reduce_sum3A_82, %reduce_sum3A_69 : i32
    %eq3A_86 = arith.constant 2 : i32
    %eq3A_87 = vector.broadcast %eq3A_86 : i32 to vector<1x256xi32>
    %eq3A_88 = arith.cmpi eq, %select_n3A_29, %eq3A_87 : vector<1x256xi32>
    %jit3A_89 = arith.constant 1 : i32
    %jit3A_90 = arith.constant 0 : i32
    %broadcast_in_dim3A_91 = vector.broadcast %jit3A_89 : i32 to vector<1x256xi32>
    %broadcast_in_dim3A_92 = vector.broadcast %jit3A_90 : i32 to vector<1x256xi32>
    %select_n3A_93 = arith.select %eq3A_88, %broadcast_in_dim3A_91, %broadcast_in_dim3A_92 : vector<1x256xi1>, vector<1x256xi32>
    %reduce_sum3A_94 = vector.shape_cast %select_n3A_93 : vector<1x256xi32> to vector<1x1x256xi32>
    %reduce_sum3A_95 = arith.constant dense<0> : vector<1xi32>
    %reduce_sum3A_96 = vector.multi_reduction <add>, %reduce_sum3A_94, %reduce_sum3A_95 [1, 2] : vector<1x1x256xi32> to vector<1xi32>
    %reduce_sum3A_97 = vector.shape_cast %reduce_sum3A_96 : vector<1xi32> to vector<1x1x1xi32>
    %reduce_sum3A_98 = vector.extract %reduce_sum3A_97[0, 0, 0] : i32 from vector<1x1x1xi32>
    %gt3A_99 = arith.cmpi sgt, %reduce_sum3A_98, %max3A : i32
    %jit3A_100 = arith.constant 2 : i32
    %select_n3A_101 = arith.select %gt3A_99, %jit3A_100, %select_n3A_85 : i32
    %max3A_102 = arith.maxsi %reduce_sum3A_98, %max3A : i32
    %eq3A_103 = arith.constant 3 : i32
    %eq3A_104 = vector.broadcast %eq3A_103 : i32 to vector<1x256xi32>
    %eq3A_105 = arith.cmpi eq, %select_n3A_29, %eq3A_104 : vector<1x256xi32>
    %jit3A_106 = arith.constant 1 : i32
    %jit3A_107 = arith.constant 0 : i32
    %broadcast_in_dim3A_108 = vector.broadcast %jit3A_106 : i32 to vector<1x256xi32>
    %broadcast_in_dim3A_109 = vector.broadcast %jit3A_107 : i32 to vector<1x256xi32>
    %select_n3A_110 = arith.select %eq3A_105, %broadcast_in_dim3A_108, %broadcast_in_dim3A_109 : vector<1x256xi1>, vector<1x256xi32>
    %reduce_sum3A_111 = vector.shape_cast %select_n3A_110 : vector<1x256xi32> to vector<1x1x256xi32>
    %reduce_sum3A_112 = arith.constant dense<0> : vector<1xi32>
    %reduce_sum3A_113 = vector.multi_reduction <add>, %reduce_sum3A_111, %reduce_sum3A_112 [1, 2] : vector<1x1x256xi32> to vector<1xi32>
    %reduce_sum3A_114 = vector.shape_cast %reduce_sum3A_113 : vector<1xi32> to vector<1x1x1xi32>
    %reduce_sum3A_115 = vector.extract %reduce_sum3A_114[0, 0, 0] : i32 from vector<1x1x1xi32>
    %gt3A_116 = arith.cmpi sgt, %reduce_sum3A_115, %max3A_102 : i32
    %jit3A_117 = arith.constant 3 : i32
    %select_n3A_118 = arith.select %gt3A_116, %jit3A_117, %select_n3A_101 : i32
    %max3A_119 = arith.maxsi %reduce_sum3A_115, %max3A_102 : i32
    %eq3A_120 = arith.constant 4 : i32
    %eq3A_121 = vector.broadcast %eq3A_120 : i32 to vector<1x256xi32>
    %eq3A_122 = arith.cmpi eq, %select_n3A_29, %eq3A_121 : vector<1x256xi32>
    %jit3A_123 = arith.constant 1 : i32
    %jit3A_124 = arith.constant 0 : i32
    %broadcast_in_dim3A_125 = vector.broadcast %jit3A_123 : i32 to vector<1x256xi32>
    %broadcast_in_dim3A_126 = vector.broadcast %jit3A_124 : i32 to vector<1x256xi32>
    %select_n3A_127 = arith.select %eq3A_122, %broadcast_in_dim3A_125, %broadcast_in_dim3A_126 : vector<1x256xi1>, vector<1x256xi32>
    %reduce_sum3A_128 = vector.shape_cast %select_n3A_127 : vector<1x256xi32> to vector<1x1x256xi32>
    %reduce_sum3A_129 = arith.constant dense<0> : vector<1xi32>
    %reduce_sum3A_130 = vector.multi_reduction <add>, %reduce_sum3A_128, %reduce_sum3A_129 [1, 2] : vector<1x1x256xi32> to vector<1xi32>
    %reduce_sum3A_131 = vector.shape_cast %reduce_sum3A_130 : vector<1xi32> to vector<1x1x1xi32>
    %reduce_sum3A_132 = vector.extract %reduce_sum3A_131[0, 0, 0] : i32 from vector<1x1x1xi32>
    %gt3A_133 = arith.cmpi sgt, %reduce_sum3A_132, %max3A_119 : i32
    %jit3A_134 = arith.constant 4 : i32
    %select_n3A_135 = arith.select %gt3A_133, %jit3A_134, %select_n3A_118 : i32
    %max3A_136 = arith.maxsi %reduce_sum3A_132, %max3A_119 : i32
    %eq3A_137 = arith.constant 5 : i32
    %eq3A_138 = vector.broadcast %eq3A_137 : i32 to vector<1x256xi32>
    %eq3A_139 = arith.cmpi eq, %select_n3A_29, %eq3A_138 : vector<1x256xi32>
    %jit3A_140 = arith.constant 1 : i32
    %jit3A_141 = arith.constant 0 : i32
    %broadcast_in_dim3A_142 = vector.broadcast %jit3A_140 : i32 to vector<1x256xi32>
    %broadcast_in_dim3A_143 = vector.broadcast %jit3A_141 : i32 to vector<1x256xi32>
    %select_n3A_144 = arith.select %eq3A_139, %broadcast_in_dim3A_142, %broadcast_in_dim3A_143 : vector<1x256xi1>, vector<1x256xi32>
    %reduce_sum3A_145 = vector.shape_cast %select_n3A_144 : vector<1x256xi32> to vector<1x1x256xi32>
    %reduce_sum3A_146 = arith.constant dense<0> : vector<1xi32>
    %reduce_sum3A_147 = vector.multi_reduction <add>, %reduce_sum3A_145, %reduce_sum3A_146 [1, 2] : vector<1x1x256xi32> to vector<1xi32>
    %reduce_sum3A_148 = vector.shape_cast %reduce_sum3A_147 : vector<1xi32> to vector<1x1x1xi32>
    %reduce_sum3A_149 = vector.extract %reduce_sum3A_148[0, 0, 0] : i32 from vector<1x1x1xi32>
    %gt3A_150 = arith.cmpi sgt, %reduce_sum3A_149, %max3A_136 : i32
    %jit3A_151 = arith.constant 5 : i32
    %select_n3A_152 = arith.select %gt3A_150, %jit3A_151, %select_n3A_135 : i32
    %max3A_153 = arith.maxsi %reduce_sum3A_149, %max3A_136 : i32
    %eq3A_154 = arith.constant 6 : i32
    %eq3A_155 = vector.broadcast %eq3A_154 : i32 to vector<1x256xi32>
    %eq3A_156 = arith.cmpi eq, %select_n3A_29, %eq3A_155 : vector<1x256xi32>
    %jit3A_157 = arith.constant 1 : i32
    %jit3A_158 = arith.constant 0 : i32
    %broadcast_in_dim3A_159 = vector.broadcast %jit3A_157 : i32 to vector<1x256xi32>
    %broadcast_in_dim3A_160 = vector.broadcast %jit3A_158 : i32 to vector<1x256xi32>
    %select_n3A_161 = arith.select %eq3A_156, %broadcast_in_dim3A_159, %broadcast_in_dim3A_160 : vector<1x256xi1>, vector<1x256xi32>
    %reduce_sum3A_162 = vector.shape_cast %select_n3A_161 : vector<1x256xi32> to vector<1x1x256xi32>
    %reduce_sum3A_163 = arith.constant dense<0> : vector<1xi32>
    %reduce_sum3A_164 = vector.multi_reduction <add>, %reduce_sum3A_162, %reduce_sum3A_163 [1, 2] : vector<1x1x256xi32> to vector<1xi32>
    %reduce_sum3A_165 = vector.shape_cast %reduce_sum3A_164 : vector<1xi32> to vector<1x1x1xi32>
    %reduce_sum3A_166 = vector.extract %reduce_sum3A_165[0, 0, 0] : i32 from vector<1x1x1xi32>
    %gt3A_167 = arith.cmpi sgt, %reduce_sum3A_166, %max3A_153 : i32
    %jit3A_168 = arith.constant 6 : i32
    %select_n3A_169 = arith.select %gt3A_167, %jit3A_168, %select_n3A_152 : i32
    %max3A_170 = arith.maxsi %reduce_sum3A_166, %max3A_153 : i32
    %eq3A_171 = arith.constant 7 : i32
    %eq3A_172 = vector.broadcast %eq3A_171 : i32 to vector<1x256xi32>
    %eq3A_173 = arith.cmpi eq, %select_n3A_29, %eq3A_172 : vector<1x256xi32>
    %jit3A_174 = arith.constant 1 : i32
    %jit3A_175 = arith.constant 0 : i32
    %broadcast_in_dim3A_176 = vector.broadcast %jit3A_174 : i32 to vector<1x256xi32>
    %broadcast_in_dim3A_177 = vector.broadcast %jit3A_175 : i32 to vector<1x256xi32>
    %select_n3A_178 = arith.select %eq3A_173, %broadcast_in_dim3A_176, %broadcast_in_dim3A_177 : vector<1x256xi1>, vector<1x256xi32>
    %reduce_sum3A_179 = vector.shape_cast %select_n3A_178 : vector<1x256xi32> to vector<1x1x256xi32>
    %reduce_sum3A_180 = arith.constant dense<0> : vector<1xi32>
    %reduce_sum3A_181 = vector.multi_reduction <add>, %reduce_sum3A_179, %reduce_sum3A_180 [1, 2] : vector<1x1x256xi32> to vector<1xi32>
    %reduce_sum3A_182 = vector.shape_cast %reduce_sum3A_181 : vector<1xi32> to vector<1x1x1xi32>
    %reduce_sum3A_183 = vector.extract %reduce_sum3A_182[0, 0, 0] : i32 from vector<1x1x1xi32>
    %gt3A_184 = arith.cmpi sgt, %reduce_sum3A_183, %max3A_170 : i32
    %jit3A_185 = arith.constant 7 : i32
    %select_n3A_186 = arith.select %gt3A_184, %jit3A_185, %select_n3A_169 : i32
    %broadcast_in_dim3A_187 = arith.constant 1 : i32
    %broadcast_in_dim3A_188 = vector.broadcast %broadcast_in_dim3A_187 : i32 to vector<1x1xi32>
    %mul3A = vector.broadcast %select_n3A_186 : i32 to vector<1x1xi32>
    %mul3A_189 = arith.muli %mul3A, %broadcast_in_dim3A_188 : vector<1x1xi32>
    %swap3A_190 = arith.constant 0 : index
    %swap3A_191 = arith.constant 0 : index
    %swap3A_192 = vector.load %arg2[%swap3A_190, %swap3A_191] : memref<1x1xi32, #tpu.memory_space<vmem>>, vector<1x1xi32>
    tpu.vector_store %arg2[%swap3A_190, %swap3A_191], %mul3A_189 {strides = array<i32>} : memref<1x1xi32, #tpu.memory_space<vmem>>, vector<1x1xi32>,
    %mul3A_193 = arith.constant 100000 : i32
    %mul3A_194 = vector.broadcast %mul3A_193 : i32 to vector<1x256xi32>
    %mul3A_195 = arith.muli %select_n3A_29, %mul3A_194 : vector<1x256xi32>
    %add3A_196 = arith.addi %mul3A_195, %select_n3A_57 : vector<1x256xi32>
    %broadcast_in_dim3A_197 = arith.constant 0 : i32
    %broadcast_in_dim3A_198 = vector.broadcast %broadcast_in_dim3A_197 : i32 to vector<1x256xi32>
    %scan3A_199 = arith.constant 2147483647 : i32
    %scan3A_200 = arith.constant 0 : i32
    %scan3A_201 = arith.constant 256 : i32
    %scan3A_202 = arith.addi %scan3A_200, %scan3A_201 : i32
    %scan3A_203 = arith.constant 1 : i32
    %scan3A_204:2 = scf.for %scan3A_209 = %scan3A_200 to %scan3A_202 step %scan3A_203 iter_args(%scan3A_210 = %scan3A_14#2, %scan3A_211 = %broadcast_in_dim3A_198) -> (vector<1x256xf32>, vector<1x256xi32>)  : i32 {
      %reduce_max3A_212 = arith.constant dense<0xFF800000> : vector<1xf32>
      %reduce_max3A_213 = vector.multi_reduction <maximumf>, %scan3A_210, %reduce_max3A_212 [1] : vector<1x256xf32> to vector<1xf32>
      %broadcast_in_dim3A_214 = vector.shape_cast %reduce_max3A_213 : vector<1xf32> to vector<1x1xf32>
      %eq3A_215 = vector.broadcast %broadcast_in_dim3A_214 : vector<1x1xf32> to vector<1x256xf32>
      %eq3A_216 = arith.cmpf oeq, %scan3A_210, %eq3A_215 : vector<1x256xf32>
      %broadcast_in_dim3A_217 = vector.broadcast %scan3A_199 : i32 to vector<1x256xi32>
      %select_n3A_218 = arith.select %eq3A_216, %add3A_196, %broadcast_in_dim3A_217 : vector<1x256xi1>, vector<1x256xi32>
      %reduce_min3A = arith.constant dense<2147483647> : vector<1xi32>
      %reduce_min3A_219 = vector.multi_reduction <minsi>, %select_n3A_218, %reduce_min3A [1] : vector<1x256xi32> to vector<1xi32>
      %broadcast_in_dim3A_220 = vector.shape_cast %reduce_min3A_219 : vector<1xi32> to vector<1x1xi32>
      %jit3A_221 = arith.constant 100000 : i32
      %eq3A_222 = arith.constant 0 : i32
      %eq3A_223 = arith.cmpi eq, %jit3A_221, %eq3A_222 : i32
      %jit3A_224 = arith.constant 1 : i32
      %select_n3A_225 = arith.select %eq3A_223, %jit3A_224, %jit3A_221 : i32
      %rem3A_226 = vector.broadcast %select_n3A_225 : i32 to vector<1x1xi32>
      %rem3A_227 = arith.remsi %broadcast_in_dim3A_220, %rem3A_226 : vector<1x1xi32>
      %ne3A_228 = arith.constant 0 : i32
      %ne3A_229 = vector.broadcast %ne3A_228 : i32 to vector<1x1xi32>
      %ne3A_230 = arith.cmpi ne, %rem3A_227, %ne3A_229 : vector<1x1xi32>
      %lt3A_231 = arith.constant 0 : i32
      %lt3A_232 = vector.broadcast %lt3A_231 : i32 to vector<1x1xi32>
      %lt3A_233 = arith.cmpi slt, %rem3A_227, %lt3A_232 : vector<1x1xi32>
      %lt3A_234 = arith.constant 0 : i32
      %lt3A_235 = arith.cmpi slt, %select_n3A_225, %lt3A_234 : i32
      %ne3A_236 = vector.broadcast %lt3A_235 : i1 to vector<1x1xi1>
      %ne3A_237 = vector.broadcast %ne3A_236 : vector<1x1xi1> to vector<1x1xi1>
      %ne3A_238 = arith.xori %lt3A_233, %ne3A_237 : vector<1x1xi1>
      %and3A_239 = arith.andi %ne3A_238, %ne3A_230 : vector<1x1xi1>
      %add3A_240 = vector.broadcast %select_n3A_225 : i32 to vector<1x1xi32>
      %add3A_241 = arith.addi %rem3A_227, %add3A_240 : vector<1x1xi32>
      %select_n3A_242 = arith.select %and3A_239, %add3A_241, %rem3A_227 : vector<1x1xi1>, vector<1x1xi32>
      %eq3A_243 = vector.broadcast %scan3A_209 : i32 to vector<1x256xi32>
      %eq3A_244 = arith.cmpi eq, %iota3A_6, %eq3A_243 : vector<1x256xi32>
      %broadcast_in_dim3A_245 = vector.shape_cast %select_n3A_242 : vector<1x1xi32> to vector<1x1xi32>
      %broadcast_in_dim3A_246 = vector.broadcast %broadcast_in_dim3A_245 : vector<1x1xi32> to vector<1x256xi32>
      %select_n3A_247 = arith.select %eq3A_244, %broadcast_in_dim3A_246, %scan3A_211 : vector<1x256xi1>, vector<1x256xi32>
      %eq3A_248 = vector.broadcast %broadcast_in_dim3A_220 : vector<1x1xi32> to vector<1x256xi32>
      %eq3A_249 = arith.cmpi eq, %add3A_196, %eq3A_248 : vector<1x256xi32>
      %jit3A_250 = arith.constant -3.000000e+38 : f32
      %broadcast_in_dim3A_251 = vector.broadcast %jit3A_250 : f32 to vector<1x256xf32>
      %select_n3A_252 = arith.select %eq3A_249, %broadcast_in_dim3A_251, %scan3A_210 : vector<1x256xi1>, vector<1x256xf32>
      scf.yield %select_n3A_252, %select_n3A_247 : vector<1x256xf32>, vector<1x256xi32>
    }
    %scan3A_205 = arith.constant 256 : i32
    %swap3A_206 = arith.constant 0 : index
    %swap3A_207 = arith.constant 0 : index
    %swap3A_208 = vector.load %arg1[%swap3A_206, %swap3A_207] : memref<1x256xi32, #tpu.memory_space<vmem>>, vector<1x256xi32>
    tpu.vector_store %arg1[%swap3A_206, %swap3A_207], %scan3A_204#1 {strides = array<i32>} : memref<1x256xi32, #tpu.memory_space<vmem>>, vector<1x256xi32>,
    return
  }
}

</mosaic_0001>

<sc_bundles>
// kernel: kernel.5.cloned.1.call-start
scs
__scs_entry_jumppad:
0x0: {  	(pc) =	sbr.rel $0x88, $3  }
0x1: {  	(tag) =	ssettag $0x0;
	lr =	simm.s32 $0x1  }
0x2: {  	[smem:$0x3F9D] =	sst lr;
	_ =	strace $0xD0000000  }
0x3: {  	_ = 	snop  }
0x4: {  	_ = 	snop  }
0x5: {  	_ = 	snop  }
0x6: {  	_ = 	snop  }
0x7: {  	_ = 	snop  }
__scs_overlays_trampoline_lowered:
0x8: {  	[smem:$0x3FAC] =	sst s0  }
0x9: {  	[smem:$0x3FAD] =	sst s1  }
0xa: {  	[smem:$0x3FAE] =	sst s2  }
0xb: {  	[smem:$0x3FAF] =	sst s3  }
0xc: {  	[smem:$0x3FB0] =	sst s4  }
0xd: {  	[smem:$0x3FB1] =	sst s5  }
0xe: {  	[smem:$0x3FB2] =	sst s6  }
0xf: {  	[smem:$0x3FB3] =	sst s7  }
0x10: {  	[smem:$0x3FB4] =	sst s8  }
0x11: {  	[smem:$0x3FB5] =	sst s9;
	s0 =	simm.s32 @!p0 $0x0  }
0x12: {  	s1 =	sld [smem:$0x3F9B];
	s0 =	simm.s32 @p0 $0x1  }
0x13: {  	[smem:$0x3FB6] =	sst s0;
	s0 =	simm.s32 @!p1 $0x0  }
0x14: {  	s2 =	sld [smem:$0x3F9A];
	s0 =	simm.s32 @p1 $0x1  }
0x15: {  	[smem:$0x3FB7] =	sst s0;
	s0 =	simm.s32 @!p2 $0x0  }
0x16: {  	s3 =	sld [smem:$0x3FDB];
	s0 =	simm.s32 @p2 $0x1  }
0x17: {  	s4 =	simm.s32 $0x1BF5;
	[smem:$0x3FB9] =	sst s0  }
0x18: {  	s0 =	sld [smem:$0x3F9C];
	_ =	swait.ge [sflag:s4], $0x0  }
0x19: {  	s7 =	sld [smem:$0x3F9D]  }
0x1a: {  	s8 =	sadd.s32 $0xFFFFE003, lr  }
0x1b: {  	s9 =	sadd.s32 $0xFFFFFEF7, lr;
	s5 =	simm.s32 $0xFFFFFFFF;
	p2 =	slt.u32 s8, $0xFFFFF086  }
0x1c: {  	p1 =	slt.u32 s9, $0xF7A;
	s5 =	simm.s32 @!p2 $0x0  }
0x1d: {  	s5 =	simm.s32 @p1 $0x1;
	p0 =	seq.s32 s7, s2  }
0x1e: {  	s7 =	smul.u32 @!p0 $0xF7A, s2;
	p2 =	seq.s32 @!p0 s5, $0x0  }
0x1f: {  	s9 =	smul.u32 $0xF7A, s1;
	s8 =	simm.s32 @!p0 $0x1BF5;
	p2 =	por !p2, p0  }
0x20: {  	[sflag:s8] =	ssyncset.s32 @!p0 $0xFFFFF086;
	s6 =	sadd.s32 @!p0 s3, s7;
	s7 =	simm.s32 @!p0 $0x108  }
0x21: {  	s3 =	sadd.s32 s3, s9;
	s6 =	sadd.s32 @!p0 $0x88, s6;
	s7 =	simm.s32 @p2 $0x1082  }
0x22: {  	[simem:s7], [sflag:s8] =	dma.local @!p0 [hbm:s6], $0xF7A  }
0x23: {  	s9 =	sor.u32 $0xD0000000, s2;
	s6 =	simm.s32 $0x108;
	_ =	swait.ge @!p0 [sflag:s8], $0x0  }
0x24: {  	s3 =	sadd.s32 $0x88, s3;
	s6 =	simm.s32 @!p1 $0x1082;
	[sflag:s4] =	ssyncset.s32 $0xFFFFF086  }
0x25: {  	[simem:s6], [sflag:s4] =	dma.local [hbm:s3], $0xF7A  }
0x26: {  	[smem:$0x3F9D] =	sst s1;
	(tag) =	ssettag s2;
	_ =	strace s9  }
0x27: {  	s1 =	sld [smem:$0x3FAD]  }
0x28: {  	s2 =	sld [smem:$0x3FAE]  }
0x29: {  	s4 =	sld [smem:$0x3FB0]  }
0x2a: {  	p0 =	seq.s32 s5, $0x0;
	s5 =	sld [smem:$0x3FB1]  }
0x2b: {  	s6 =	sld [smem:$0x3FB2]  }
0x2c: {  	s7 =	sld [smem:$0x3FB3]  }
0x2d: {  	s3 =	simm.s32 $0x108;
	s8 =	sld [smem:$0x3FB4]  }
0x2e: {  	s3 =	simm.s32 @!p0 $0x1082;
	s9 =	sld [smem:$0x3FB5]  }
0x2f: {  	lr =	sadd.s32 s0, s3;
	s0 =	sld [smem:$0x3FAC]  }
0x30: {  	s3 =	sld [smem:$0x3FAF]  }
0x31: {  	[smem:$0x3FB8] =	sst s10  }
0x32: {  	s10 =	sld [smem:$0x3FB6];
	_ =	sdelay $0x3  }
0x33: {  	p0 =	seq.s32 s10, $0x1;
	s10 =	sld [smem:$0x3FB8];
	_ =	sdelay $0x3  }
0x34: {  	[smem:$0x3FB8] =	sst s10  }
0x35: {  	s10 =	sld [smem:$0x3FB7];
	_ =	sdelay $0x3  }
0x36: {  	p1 =	seq.s32 s10, $0x1;
	s10 =	sld [smem:$0x3FB8];
	_ =	sdelay $0x3  }
0x37: {  	[smem:$0x3FB8] =	sst s10  }
0x38: {  	s10 =	sld [smem:$0x3FB9]  }
0x39: {  	_ = 	snop;
	(pc) =	sbr.ind lr, $3  }
0x3a: {  	_ = 	snop  }
0x3b: {  	_ = 	snop  }
0x3c: {  	p2 =	seq.s32 s10, $0x1;
	s10 =	sld [smem:$0x3FB8]  }
0x3d: {  	_ =	shalt  }
0x3e: {  	_ =	shalt  }
0x3f: {  	_ =	shalt  }
0x40: {  	_ =	shalt  }
0x41: {  	_ =	shalt  }
0x42: {  	_ =	shalt  }
0x43: {  	_ =	shalt  }
0x44: {  	_ =	shalt  }
0x45: {  	_ =	shalt  }
0x46: {  	_ =	shalt  }
0x47: {  	_ =	shalt  }
0x48: {  	_ =	shalt  }
0x49: {  	_ =	shalt  }
0x4a: {  	_ =	shalt  }
0x4b: {  	_ =	shalt  }
0x4c: {  	_ =	shalt  }
0x4d: {  	_ =	shalt  }
0x4e: {  	_ =	shalt  }
0x4f: {  	_ =	shalt  }
0x50: {  	_ =	shalt  }
0x51: {  	_ =	shalt  }
0x52: {  	_ =	shalt  }
0x53: {  	_ =	shalt  }
0x54: {  	_ =	shalt  }
0x55: {  	_ =	shalt  }
0x56: {  	_ =	shalt  }
0x57: {  	_ =	shalt  }
0x58: {  	_ =	shalt  }
0x59: {  	_ =	shalt  }
0x5a: {  	_ =	shalt  }
0x5b: {  	_ =	shalt  }
0x5c: {  	_ =	shalt  }
0x5d: {  	_ =	shalt  }
0x5e: {  	_ =	shalt  }
0x5f: {  	_ =	shalt  }
0x60: {  	_ =	shalt  }
0x61: {  	_ =	shalt  }
0x62: {  	_ =	shalt  }
0x63: {  	_ =	shalt  }
0x64: {  	_ =	shalt  }
0x65: {  	_ =	shalt  }
0x66: {  	_ =	shalt  }
0x67: {  	_ =	shalt  }
0x68: {  	_ =	shalt  }
0x69: {  	_ =	shalt  }
0x6a: {  	_ =	shalt  }
0x6b: {  	_ =	shalt  }
0x6c: {  	_ =	shalt  }
0x6d: {  	_ =	shalt  }
0x6e: {  	_ =	shalt  }
0x6f: {  	_ =	shalt  }
0x70: {  	_ =	shalt  }
0x71: {  	_ =	shalt  }
0x72: {  	_ =	shalt  }
0x73: {  	_ =	shalt  }
0x74: {  	_ =	shalt  }
0x75: {  	_ =	shalt  }
0x76: {  	_ =	shalt  }
0x77: {  	_ =	shalt  }
0x78: {  	_ =	shalt  }
0x79: {  	_ =	shalt  }
0x7a: {  	_ =	shalt  }
0x7b: {  	_ =	shalt  }
0x7c: {  	_ =	shalt  }
0x7d: {  	_ =	shalt  }
0x7e: {  	_ =	shalt  }
0x7f: {  	_ =	shalt  }
0x80: {  	_ =	shalt  }
0x81: {  	_ =	shalt  }
0x82: {  	_ =	shalt  }
0x83: {  	_ =	shalt  }
0x84: {  	_ =	shalt  }
0x85: {  	_ =	shalt  }
0x86: {  	_ =	shalt  }
0x87: {  	_ =	shalt  }
.Lfunc_end0:
.L_simem_size_0:
called_computation_lowered:
.L_overlay_start_0:
0x88: {  	s2 =	sld [smem:$0x3FD9]  }
0x89: {  	s3 =	sld [smem:$0x3FFE];
	_ =	sdelay $0x1  }
0x8a: {  	s1 =	srdreg.scid  }
0x8b: {  	s0 =	sand.u32 $0x1, s1  }
0x8c: {  	s14 =	sshll.u32 s0, $0xA;
	s2 =	sadd.s32 s3, s2  }
0x8d: {  	s2 =	sadd.s32 s2, s14  }
0x8e: {  	[smem:$0x3FC4] =	sst s2  }
0x8f: {  	_ = 	snop  }
0x90: {  	s2 =	sld [smem:$0x3FD0];
	_ =	sdelay $0x2  }
0x91: {  	s4 =	simm.s32 $0xA;
	s5 =	simm.s32 $0x10;
	s15 =	sld [smem:$0x3FC9]  }
0x92: {  	[smem:s5], [sflag:s4] =	dma.local [hbm:s2], $0x1  }
0x93: {  	_ =	swait.eq [sflag:s4], $0x1  }
0x94: {  	[sflag:s4] =	ssyncset.done $0x0  }
0x95: {  	[sflag:s4] =	ssyncadd.s32 $0xFFFFFFFF  }
0x96: {  	s16 =	sld [smem:$0x11];
	(tm) =	ssettm $0x1  }
0x97: {  	s17 =	sld [smem:$0x3FFB];
	_ =	sdelay $0x3  }
0x98: {  	_ =	strace s17  }
0x99: {  	s4 =	sld [smem:$0x3FFC];
	_ =	sdelay $0x3  }
0x9a: {  	_ =	strace s4  }
0x9b: {  	s4 =	sld [smem:$0x3FFD];
	_ =	sdelay $0x3  }
0x9c: {  	_ =	strace s4  }
0x9d: {  	_ =	strace $0x8FFFFFFF  }
0x9e: {  	s18 =	sld [smem:$0x3FDB];
	_ =	sdelay $0x1  }
0x9f: {  	s19 =	simm.s32 $_scs_section_size  }
0xa0: {  	s6 =	simm.s32 $_size__tile_overlayer_lowered;
	s7 =	simm.s32 $_tile_overlayer_lowered  }
0xa1: {  	s22 =	simm.s32 $0x1BFF;
	s21 =	sshll.u32 s7, $0x1;
	s4 =	sadd.s32 s19, s18  }
0xa2: {  	s8 =	simm.s32 $0x0;
	s20 =	sshll.u32 s6, $0x1;
	s6 =	sadd.s32 s21, s4  }
0xa3: {  	[timem:s8], [sflag:s22] =	dma.local [hbm:s6], s20  }
0xa4: {  	_ =	swait.ge [sflag:s22], s20  }
0xa5: {  	s5 =	ssub.s32 $0x0, s20;
	[sflag:s22] =	ssyncset.done $0x0  }
0xa6: {  	[sflag:s22] =	ssyncadd.s32 s5;
	_ =	sdelay $0x1  }
0xa7: {  	s23 =	simm.s32 $0x1B8B  }
0xa8: {  	_ =	swait.ge [sflag:s23], $0x1  }
0xa9: {  	[sflag:s23] =	ssyncset.done $0x0  }
0xaa: {  	s25 =	simm.s32 $0x1B8E;
	s24 =	sld [smem:$0x3FFE];
	[sflag:s23] =	ssyncadd.s32 $0xFFFFFFFF  }
0xab: {  	s26 =	simm.s32 $execute0_lowered;
	[smem:$0x3FD2] =	sst s25  }
0xac: {  	s6 =	sshll.u32 s26, $0x1;
	_ =	strace $0x80000046;
	[dreg:$0x1] =	wrdreg $0xFFFFFFFF  }
0xad: {  	s28 =	simm.s32 $_size_execute0_lowered;
	s4 =	sadd.s32 s4, s6;
	[dreg:$0x0] =	wrdreg $0x0  }
0xae: {  	s6 =	sshll.u32 s28, $0x1;
	[dreg:$0x2] =	wrdreg s4  }
0xaf: {  	[dreg:$0x3] =	wrdreg s6  }
0xb0: {  	[dreg:$0x4] =	wrdreg $0xC0  }
0xb1: {  	_ =	task [dreg:s8], $0x5FFFF  }
0xb2: {  	[dreg:$0x1] =	wrdreg $0xFFFFFFFF  }
0xb3: {  	[dreg:$0x0] =	wrdreg $0x60  }
0xb4: {  	[dreg:$0x2] =	wrdreg s15  }
0xb5: {  	[dreg:$0x3] =	wrdreg s24  }
0xb6: {  	[dreg:$0x4] =	wrdreg s16  }
0xb7: {  	[dreg:$0x5] =	wrdreg $0x9  }
0xb8: {  	_ =	task.clear_ibuf [dreg:s8], $0x6FFFF;
	_ =	strace $0x90000046  }
0xb9: {  	s29 =	simm.s32 $0x9;
	_ =	strace $0x80000048  }
0xba: {  	_ =	swait.ge [sflag:s29], $0x1  }
0xbb: {  	[sflag:s29] =	ssyncadd.s32 $0xFFFFFFFF  }
0xbc: {  	_ =	strace $0x90000048  }
0xbd: {  	_ =	sfence  }
0xbe: {  	s30 =	sld [smem:$0x0];
	_ =	sdelay $0x2  }
0xbf: {  	s31 =	sshll.u32 s1, $0xD;
	s1 =	sshrl.u32 s1, $0x2  }
0xc0: {  	s3 =	sand.u32 $0x4000, s31;
	s1 =	sadd.s32 s1, s30  }
0xc1: {  	s0 =	sor.u32 s3, s0;
	s1 =	sshll.u32 s1, $0x11  }
0xc2: {  	s0 =	sor.u32 s1, s0  }
0xc3: {  	s0 =	sadd.s32 $0x8F2B, s0  }
0xc4: {  	[sflag:s0] =	ssyncadd.remote.s32 $0x1  }
0xc5: {  	_ =	sfence.sel $0xFFFF  }
0xc6: {  	[dreg:$0x0] =	wrdreg $0xFFFFFFFF;
	(pc) =	sbr.abs _section_cstart, $3  }
0xc7: {  	[dreg:$0x1] =	wrdreg $0xFFFFFFFF  }
0xc8: {  	_ =	task.clear_ibuf [dreg:s8], $0x2FFFF;
	_ =	strace $0x9FFFFFFF  }
0xc9: {  	(tm) =	ssettm $0x7FFFFFFF  }
tec
execute0_lowered:
.L_overlay_start_1:
0x0: {  	(tag) =	ssettag $0x1  }
0x1: {  	s2 =	srdreg.scid  }
0x2: {  	s1 =	rddreg [dreg:$0x0];
	s0 =	stileid.u32;
	s6 =	sand.u32 $0x1, s2  }
0x3: {  	s4 =	rddreg [dreg:$0x1];
	s30 =	sshll.u32 s0, $0x4;
	s3 =	sshll.u32 s6, $0x3  }
0x4: {  	s8 =	rddreg [dreg:$0x2];
	s9 =	sor.u32 s3, s30  }
0x5: {  	s2 =	rddreg [dreg:$0x3];
	s3 =	simm.s32 $0x0;
	s5 =	sshrl.u32 s9, $0x3  }
0x6: {  	[smem:$0x7FF] =	sst s3;
	s4 =	sadd.s32 s5, s4  }
0x7: {  	_ =	strace $0x80000047;
	s5 =	sadd.s32 $0xC00, s4;
	s4 =	simm.s32 $0x2  }
0x8: {  	[tilespmem:s3], [sflag:$0x2] =	stream.linear.gather [hbm4b:s5+s3], $0x8, $0x38;
	[tilespmem:$0x880] =	vst v63  }
0x9: {  	_ =	swait.ge [sflag:s4], $0x8  }
0xa: {  	[sflag:s4] =	ssyncset.done $0x0  }
0xb: {  	[sflag:s4] =	ssyncadd.s32 $0xFFFFFFF8  }
0xc: {  	v0 =	vld.msk [tilespmem:$0x0], $0xff;
	_ =	sdelay $0x4  }
0xd: {  	v1 =	vshll.u32 v0, $0x1  }
0xe: {  	v2 =	vlaneseq.u32;
	v3 =	vand.u32 $0x7, v0;
	v1 =	vand.u32 $0xFFFFFFF0, v1  }
0xf: {  	v0 =	vand.u32 $0x7, v2;
	v2 =	vshrl.u32 v2, $0x3;
	v3 =	vor.u32 v3, v1  }
0x10: {  	v1 =	vmul.u32 $0x8, v2;
	v2 =	vperm.xlane v3, v0;
	_ =	sdelay $0x1  }
0x11: {  	v2 =	vadd.s32 v1, v2  }
0x12: {  	s10 =	ssub.s32 $0x2, s6  }
0x13: {  	s11 =	sshrl.u32 s10, $0x1  }
0x14: {  	s10 =	ssub.s32 s10, s11  }
0x15: {  	vm0 =	vmmov $0xffff;
	s7 =	simm.s32 $0x1;
	s6 =	simm.s32 $0x80;
	s31 =	smax.u32 s10, $0x1  }
0x16: {  	[tilespmem:s6], [sflag:$0x1] =	stream.indirect_vreg.gather [hbm4b:s1+s3], $0x80, v2, vm0, $0xb8;
	[tilespmem:$0x880] =	vst v63  }
0x17: {  	p0 =	sne.s32 s31, $0x1;
	_ =	swait.ge [sflag:s7], $0x800  }
.Ltmp0:
0x18: {  	s9 =	sshll.u32 s9, $0x5;
	[sflag:s7] =	ssyncset.done $0x0;
	(pc) =	sbr.rel @!p0 .LBB2_2-.Ltmp0, $4  }
0x19: {  	s8 =	sadd.s32 s8, s9;
	[sflag:s7] =	ssyncadd.s32 $0xFFFFF800  }
0x1a: {  	[hbm4b:s8+s3] =	stream.linear.scatter [tilespmem:s6], [sflag:$0x2], $0x800, $0x38;
	[tilespmem:$0x880] =	vst v63  }
0x1b: {  	_ =	swait.ge [sflag:s4], $0x800  }
0x1c: {  	s9 =	sadd.s32 $0xFFFFFFFF, s31;
	[sflag:s4] =	ssyncset.done $0x0  }
.LBB2_1:
0x1d: {  	p0 =	sne.s32 s9, $0x1;
	s9 =	sadd.s32 $0xFFFFFFFF, s9;
	[sflag:s4] =	ssyncadd.s32 $0xFFFFF800  }
0x1e: {  	[tilespmem:s3], [sflag:$0x2] =	stream.linear.gather [hbm4b:s5+s3], $0x8, $0x38;
	[tilespmem:$0x880] =	vst v63  }
0x1f: {  	_ =	swait.ge [sflag:s4], $0x8  }
0x20: {  	[sflag:s4] =	ssyncset.done $0x0  }
0x21: {  	[sflag:s4] =	ssyncadd.s32 $0xFFFFFFF8  }
0x22: {  	v2 =	vld.msk [tilespmem:$0x0], $0xff;
	_ =	sdelay $0x4  }
0x23: {  	v3 =	vshll.u32 v2, $0x1  }
0x24: {  	v2 =	vand.u32 $0x7, v2;
	v3 =	vand.u32 $0xFFFFFFF0, v3  }
0x25: {  	v2 =	vor.u32 v2, v3  }
0x26: {  	v2 =	vperm.xlane v2, v0;
	_ =	sdelay $0x1  }
0x27: {  	v2 =	vadd.s32 v1, v2;
	_ =	sdelay $0x4  }
0x28: {  	[tilespmem:s6], [sflag:$0x1] =	stream.indirect_vreg.gather [hbm4b:s1+s3], $0x80, v2, vm0, $0xb8;
	[tilespmem:$0x880] =	vst v63  }
0x29: {  	_ =	swait.ge [sflag:s7], $0x800  }
.Ltmp1:
0x2a: {  	[sflag:s7] =	ssyncset.done $0x0;
	(pc) =	sbr.rel @p0 .LBB2_1-.Ltmp1, $4  }
0x2b: {  	[sflag:s7] =	ssyncadd.s32 $0xFFFFF800  }
0x2c: {  	[hbm4b:s8+s3] =	stream.linear.scatter [tilespmem:s6], [sflag:$0x2], $0x800, $0x38;
	[tilespmem:$0x880] =	vst v63  }
0x2d: {  	_ =	swait.ge [sflag:s4], $0x800  }
0x2e: {  	[sflag:s4] =	ssyncset.done $0x0  }
.LBB2_2:
0x2f: {  	[sflag:s4] =	ssyncadd.s32 $0xFFFFF800  }
0x30: {  	_ =	sfence.sel $0x180000  }
0x31: {  	[bflag:$0x0] =	sbarrier.arrive $0xFFFF  }
0x32: {  	p0 =	sne.s32 s0, $0x0;
	_ =	strace $0x90000047  }
0x33: {  	s0 =	sadd.s32 @!p0 $0x100000, s2;
	[bflag:$0x2] =	sbarrier.arrive $0xFFFF  }
0x34: {  	[sflag:s0] =	ssyncadd.tile.s32 @!p0 $0x1;
	_ =	shalt  }
.Lfunc_end2:
_tile_overlayer_lowered:
.L_overlay_start_2:
0x35: {  	(tag) =	ssettag $0x2  }
0x36: {  	s0 =	rddreg [dreg:$0x0];
	s2 =	stileid.u32  }
0x37: {  	s1 =	rddreg [dreg:$0x1];
	p0 =	sne.s32 s2, $0x0  }
0x38: {  	s3 =	rddreg [dreg:$0x2];
	[bflag:$0x3] =	sbarrier.arrive $0xFFFF;
	s2 =	simm.s32 @!p0 $0x1C02  }
0x39: {  	[timem:s3], [sflag:s2] =	dma.local @!p0 [hbm:s0], s1  }
0x3a: {  	s0 =	simm.s32 @!p0 $0x2  }
0x3b: {  	_ =	swait.ge @!p0 [sflag:s0], s1  }
0x3c: {  	s1 =	ssub.s32 @!p0 $0x0, s1;
	[sflag:s0] =	ssyncset.done @!p0 $0x0  }
0x3d: {  	[sflag:s0] =	ssyncadd.s32 @!p0 s1  }
0x3e: {  	[bflag:$0x3] =	sbarrier.arrive $0xFFFF  }
0x3f: {  	_ =	shalt  }

</sc_bundles>
